<compile_context>
chip_gen: v7x
topology: tpu7x:2x2x1
jax: 0.10.2.dev20260603
libtpu: 0.0.44.dev20260713+nightly
codegen_flags: <defaults>
</compile_context>

<pallas_src>
import functools

import jax
import jax.numpy as jnp
from jax import lax
from jax.experimental import pallas as pl
from jax.experimental.pallas import tpu as pltpu
from jax.experimental.pallas import tpu_sc as plsc

NC = 2
NS = 16
NW = NC * NS

LINE = 128
G = 80
DEPTH = 4
VREG = 16
UNROLL = 8


def _gather_kernel(B, D, table_hbm, idx_hbm, out_hbm, idx_v, *bufs):
    rows = bufs[0:DEPTH]
    comp = bufs[DEPTH:2 * DEPTH]
    gsem = bufs[2 * DEPTH:3 * DEPTH]
    wsem = bufs[3 * DEPTH:4 * DEPTH]

    b_per_w = B // NW
    groups = b_per_w // G
    wid = lax.axis_index("s") * NC + lax.axis_index("c")
    tok_base = wid * b_per_w
    pltpu.sync_copy(idx_hbm.at[pl.ds(tok_base, b_per_w)], idx_v)

    def compact(rows_v, comp_v):
        @plsc.parallel_loop(0, G, unroll=UNROLL)
        def _(r):
            for c0 in range(0, D, VREG):
                comp_v[r, pl.ds(c0, VREG)] = rows_v[r, pl.ds(c0, VREG)]

    @pl.loop(0, groups // DEPTH)
    def _(q):
        g0 = q * DEPTH
        ga = [pltpu.async_copy(
                  table_hbm.at[idx_v.at[pl.ds((g0 + i) * G, G)]],
                  rows[i], gsem[i])
              for i in range(DEPTH)]
        ws = []
        for i in range(DEPTH):
            ga[i].wait()
            compact(rows[i], comp[i])
            ws.append(pltpu.async_copy(
                comp[i],
                out_hbm.at[pl.ds(tok_base + (g0 + i) * G, G)],
                wsem[i]))
        for w in ws:
            w.wait()


def _pad_kernel(x_ref, o_ref):
    o_ref[:, : x_ref.shape[1]] = x_ref[...]


def _pad_table(table):
    V, D = table.shape
    RB = 2000
    return pl.pallas_call(
        _pad_kernel,
        grid=(V // RB,),
        in_specs=[pl.BlockSpec((RB, D), lambda i: (i, 0))],
        out_specs=pl.BlockSpec((RB, LINE), lambda i: (i, 0)),
        out_shape=jax.ShapeDtypeStruct((V, LINE), table.dtype),
    )(table)


def kernel(phonemes, table):
    S0, S1 = phonemes.shape
    B = S0 * S1
    V, D = table.shape
    idx = phonemes.reshape(B).astype(jnp.int32)
    table_pad = _pad_table(table)

    mesh = plsc.VectorSubcoreMesh(core_axis_name="c", subcore_axis_name="s")
    b_per_w = B // NW

    k = pl.kernel(
        functools.partial(_gather_kernel, B, D),
        out_type=jax.ShapeDtypeStruct((B, D), table.dtype),
        mesh=mesh,
        scratch_types=(
            [pltpu.VMEM((b_per_w,), jnp.int32)]
            + [pltpu.VMEM((G, LINE), jnp.float32)] * DEPTH
            + [pltpu.VMEM((G, D), jnp.float32)] * DEPTH
            + [pltpu.SemaphoreType.DMA] * (2 * DEPTH)
        ),
    )
    return k(table_pad, idx).reshape(S0, S1, D)

# --- scband reference (transcript-rebuilt; emitter-appended) ---
"""Pipeline reference for scband-phonemes-embeddings-9543417331919 (READ-ONLY COPY).

The authoritative reference and input builder live on the scoring server;
editing this copy changes nothing except your own understanding.
"""

import jax, jax.numpy as jnp
import numpy as np

NUM_EMBEDDINGS = 100000
EMBEDDING_DIM = 32

def setup_inputs(seed: int = 0) -> dict:
    key = jax.random.key(seed)
    k1, k2 = jax.random.split(key)
    phonemes = jax.random.randint(k1, (4096, 200), 0, NUM_EMBEDDINGS, dtype=jnp.int64 if jax.config.jax_enable_x64 else jnp.int32)
    table = jax.random.normal(k2, (NUM_EMBEDDINGS, EMBEDDING_DIM), dtype=jnp.float32)
    return {"phonemes": phonemes, "table": table}

def reference(phonemes, table):
    # nn.Embedding forward: gather rows of the embedding table by index
    return jnp.take(table, phonemes, axis=0)

if __name__ == "__main__":
    import jax
    _d = setup_inputs()
    print(jax.jit(kernel)(*tuple(_d.values())))

</pallas_src>

<mosaic_0001>
#map = affine_map<(d0, d1) -> (0, 0)>
#map1 = affine_map<(d0, d1) -> (0)>
module attributes {stable_mosaic.version = 14 : i64} {
  func.func @_gather_kernel(%arg0: i32, %arg1: i32, %arg2: memref<100000x128xf32, #tpu.memory_space<hbm>>, %arg3: memref<819200xi32, #tpu.memory_space<hbm>>, %arg4: memref<819200x32xf32, #tpu.memory_space<hbm>>, %arg5: memref<25600xi32, #tpu.memory_space<vmem>>, %arg6: memref<80x128xf32, #tpu.memory_space<vmem>>, %arg7: memref<80x128xf32, #tpu.memory_space<vmem>>, %arg8: memref<80x128xf32, #tpu.memory_space<vmem>>, %arg9: memref<80x128xf32, #tpu.memory_space<vmem>>, %arg10: memref<80x32xf32, #tpu.memory_space<vmem>>, %arg11: memref<80x32xf32, #tpu.memory_space<vmem>>, %arg12: memref<80x32xf32, #tpu.memory_space<vmem>>, %arg13: memref<80x32xf32, #tpu.memory_space<vmem>>, %arg14: memref<!tpu.dma_semaphore, #tpu.memory_space<semaphore_mem>>, %arg15: memref<!tpu.dma_semaphore, #tpu.memory_space<semaphore_mem>>, %arg16: memref<!tpu.dma_semaphore, #tpu.memory_space<semaphore_mem>>, %arg17: memref<!tpu.dma_semaphore, #tpu.memory_space<semaphore_mem>>, %arg18: memref<!tpu.dma_semaphore, #tpu.memory_space<semaphore_mem>>, %arg19: memref<!tpu.dma_semaphore, #tpu.memory_space<semaphore_mem>>, %arg20: memref<!tpu.dma_semaphore, #tpu.memory_space<semaphore_mem>>, %arg21: memref<!tpu.dma_semaphore, #tpu.memory_space<semaphore_mem>>) attributes {dimension_semantics = [#tpu.dimension_semantics<core_parallel>, #tpu.dimension_semantics<subcore_parallel>], iteration_bounds = array<i64: 2, 16>, scalar_prefetch = 0 : i64, scratch_operands = 17 : i64, tpu.core_type = #tpu.core_type<sc_vector_subcore>, window_params = [{transform_indices = #map}, {transform_indices = #map1}, {transform_indices = #map}]} {
    %mul3A = arith.constant 2 : i32
    %mul3A_0 = arith.muli %arg1, %mul3A : i32
    %add3A = arith.addi %mul3A_0, %arg0 : i32
    %mul3A_1 = arith.constant 25600 : i32
    %mul3A_2 = arith.muli %add3A, %mul3A_1 : i32
    "tpu.region"() ({
      %run_scoped3A = tpu.sem_alloc : memref<!tpu.dma_semaphore, #tpu.memory_space<semaphore_mem>>
      %dma_start3A = tpu.memref_slice %arg3[%mul3A_2] : memref<819200xi32, #tpu.memory_space<hbm>> -> memref<25600xi32, #tpu.memory_space<hbm>>
      %dma_start3A_7 = tpu.memref_slice %arg3[%mul3A_2] : memref<819200xi32, #tpu.memory_space<hbm>> -> memref<25600xi32, #tpu.memory_space<hbm>>
      tpu.enqueue_dma source(%dma_start3A_7 : memref<25600xi32, #tpu.memory_space<hbm>>) target(%arg5 : memref<25600xi32, #tpu.memory_space<vmem>>) target_semaphore(%run_scoped3A : memref<!tpu.dma_semaphore, #tpu.memory_space<semaphore_mem>>)
      %dma_wait3A = tpu.memref_slice %arg3[%mul3A_2] : memref<819200xi32, #tpu.memory_space<hbm>> -> memref<25600xi32, #tpu.memory_space<hbm>>
      %dma_wait3A_8 = tpu.memref_slice %arg3[%mul3A_2] : memref<819200xi32, #tpu.memory_space<hbm>> -> memref<25600xi32, #tpu.memory_space<hbm>>
      tpu.wait_dma2 semaphore(%run_scoped3A : memref<!tpu.dma_semaphore, #tpu.memory_space<semaphore_mem>>) src(%dma_wait3A_8 : memref<25600xi32, #tpu.memory_space<hbm>>) dst(%arg5 : memref<25600xi32, #tpu.memory_space<vmem>>)
      tpu.yield
    }) : () -> ()
    %scan3A = arith.constant 0 : i32
    %scan3A_3 = arith.constant 80 : i32
    %scan3A_4 = arith.addi %scan3A, %scan3A_3 : i32
    %scan3A_5 = arith.constant 1 : i32
    scf.for %scan3A_7 = %scan3A to %scan3A_4 step %scan3A_5  : i32 {
      %mul3A_8 = arith.constant 1 : i32
      %mul3A_9 = arith.muli %scan3A_7, %mul3A_8 : i32
      %add3A_10 = arith.constant 0 : i32
      %add3A_11 = arith.addi %add3A_10, %mul3A_9 : i32
      %mul3A_12 = arith.constant 4 : i32
      %mul3A_13 = arith.muli %add3A_11, %mul3A_12 : i32
      %add3A_14 = arith.constant 0 : i32
      %add3A_15 = arith.addi %mul3A_13, %add3A_14 : i32
      %mul3A_16 = arith.constant 80 : i32
      %mul3A_17 = arith.muli %add3A_15, %mul3A_16 : i32
      %dma_start3A = tpu.memref_slice %arg5[%mul3A_17] : memref<25600xi32, #tpu.memory_space<vmem>> -> memref<80xi32, #tpu.memory_space<vmem>>
      %dma_start3A_18 = arith.constant 0 : i32
      %dma_start3A_19 = arith.constant 0 : i32
      %dma_start3A_20 = tpu.memref_slice %arg2[%dma_start3A_18, %dma_start3A_19] : memref<100000x128xf32, #tpu.memory_space<hbm>> -> memref<100000x128xf32, #tpu.memory_space<hbm>>
      tpu.enqueue_indirect_dma source(%dma_start3A_20 : memref<100000x128xf32, #tpu.memory_space<hbm>>) target(%arg6 : memref<80x128xf32, #tpu.memory_space<vmem>>) offsets(%dma_start3A : memref<80xi32, #tpu.memory_space<vmem>>) semaphore(%arg14 : memref<!tpu.dma_semaphore, #tpu.memory_space<semaphore_mem>>)
      %add3A_21 = arith.constant 1 : i32
      %add3A_22 = arith.addi %mul3A_13, %add3A_21 : i32
      %mul3A_23 = arith.constant 80 : i32
      %mul3A_24 = arith.muli %add3A_22, %mul3A_23 : i32
      %dma_start3A_25 = tpu.memref_slice %arg5[%mul3A_24] : memref<25600xi32, #tpu.memory_space<vmem>> -> memref<80xi32, #tpu.memory_space<vmem>>
      %dma_start3A_26 = arith.constant 0 : i32
      %dma_start3A_27 = arith.constant 0 : i32
      %dma_start3A_28 = tpu.memref_slice %arg2[%dma_start3A_26, %dma_start3A_27] : memref<100000x128xf32, #tpu.memory_space<hbm>> -> memref<100000x128xf32, #tpu.memory_space<hbm>>
      tpu.enqueue_indirect_dma source(%dma_start3A_28 : memref<100000x128xf32, #tpu.memory_space<hbm>>) target(%arg7 : memref<80x128xf32, #tpu.memory_space<vmem>>) offsets(%dma_start3A_25 : memref<80xi32, #tpu.memory_space<vmem>>) semaphore(%arg15 : memref<!tpu.dma_semaphore, #tpu.memory_space<semaphore_mem>>)
      %add3A_29 = arith.constant 2 : i32
      %add3A_30 = arith.addi %mul3A_13, %add3A_29 : i32
      %mul3A_31 = arith.constant 80 : i32
      %mul3A_32 = arith.muli %add3A_30, %mul3A_31 : i32
      %dma_start3A_33 = tpu.memref_slice %arg5[%mul3A_32] : memref<25600xi32, #tpu.memory_space<vmem>> -> memref<80xi32, #tpu.memory_space<vmem>>
      %dma_start3A_34 = arith.constant 0 : i32
      %dma_start3A_35 = arith.constant 0 : i32
      %dma_start3A_36 = tpu.memref_slice %arg2[%dma_start3A_34, %dma_start3A_35] : memref<100000x128xf32, #tpu.memory_space<hbm>> -> memref<100000x128xf32, #tpu.memory_space<hbm>>
      tpu.enqueue_indirect_dma source(%dma_start3A_36 : memref<100000x128xf32, #tpu.memory_space<hbm>>) target(%arg8 : memref<80x128xf32, #tpu.memory_space<vmem>>) offsets(%dma_start3A_33 : memref<80xi32, #tpu.memory_space<vmem>>) semaphore(%arg16 : memref<!tpu.dma_semaphore, #tpu.memory_space<semaphore_mem>>)
      %add3A_37 = arith.constant 3 : i32
      %add3A_38 = arith.addi %mul3A_13, %add3A_37 : i32
      %mul3A_39 = arith.constant 80 : i32
      %mul3A_40 = arith.muli %add3A_38, %mul3A_39 : i32
      %dma_start3A_41 = tpu.memref_slice %arg5[%mul3A_40] : memref<25600xi32, #tpu.memory_space<vmem>> -> memref<80xi32, #tpu.memory_space<vmem>>
      %dma_start3A_42 = arith.constant 0 : i32
      %dma_start3A_43 = arith.constant 0 : i32
      %dma_start3A_44 = tpu.memref_slice %arg2[%dma_start3A_42, %dma_start3A_43] : memref<100000x128xf32, #tpu.memory_space<hbm>> -> memref<100000x128xf32, #tpu.memory_space<hbm>>
      tpu.enqueue_indirect_dma source(%dma_start3A_44 : memref<100000x128xf32, #tpu.memory_space<hbm>>) target(%arg9 : memref<80x128xf32, #tpu.memory_space<vmem>>) offsets(%dma_start3A_41 : memref<80xi32, #tpu.memory_space<vmem>>) semaphore(%arg17 : memref<!tpu.dma_semaphore, #tpu.memory_space<semaphore_mem>>)
      %dma_wait3A = tpu.memref_slice %arg5[%mul3A_17] : memref<25600xi32, #tpu.memory_space<vmem>> -> memref<80xi32, #tpu.memory_space<vmem>>
      %dma_wait3A_45 = arith.constant 0 : i32
      %dma_wait3A_46 = arith.constant 0 : i32
      %dma_wait3A_47 = tpu.memref_slice %arg2[%dma_wait3A_45, %dma_wait3A_46] : memref<100000x128xf32, #tpu.memory_space<hbm>> -> memref<100000x128xf32, #tpu.memory_space<hbm>>
      tpu.wait_indirect_dma semaphore(%arg14 : memref<!tpu.dma_semaphore, #tpu.memory_space<semaphore_mem>>) src(%dma_wait3A_47 : memref<100000x128xf32, #tpu.memory_space<hbm>>) dst(%arg6 : memref<80x128xf32, #tpu.memory_space<vmem>>)
      %parallel_loop3A = arith.constant 0 : i32
      %parallel_loop3A_48 = arith.constant 80 : i32
      %parallel_loop3A_49 = arith.constant 1 : i32
      scf.for %parallel_loop3A_123 = %parallel_loop3A to %parallel_loop3A_48 step %parallel_loop3A_49  : i32 {
        %parallel_loop3A_124 = arith.index_cast %parallel_loop3A_123 : i32 to index
        %parallel_loop3A_125 = arith.constant 0 : index
        %parallel_loop3A_126 = tpu.vector_load %arg6[%parallel_loop3A_124, %parallel_loop3A_125] {strides = array<i32>} : memref<80x128xf32, #tpu.memory_space<vmem>>, vector<1x16xf32>,
        %parallel_loop3A_127 = vector.shape_cast %parallel_loop3A_126 : vector<1x16xf32> to vector<16xf32>
        %parallel_loop3A_128 = arith.index_cast %parallel_loop3A_123 : i32 to index
        %parallel_loop3A_129 = arith.constant 0 : index
        %parallel_loop3A_130 = tpu.vector_load %arg10[%parallel_loop3A_128, %parallel_loop3A_129] {strides = array<i32>} : memref<80x32xf32, #tpu.memory_space<vmem>>, vector<1x16xf32>,
        %parallel_loop3A_131 = vector.shape_cast %parallel_loop3A_130 : vector<1x16xf32> to vector<16xf32>
        %parallel_loop3A_132 = vector.shape_cast %parallel_loop3A_127 : vector<16xf32> to vector<1x16xf32>
        tpu.vector_store %arg10[%parallel_loop3A_128, %parallel_loop3A_129], %parallel_loop3A_132 {strides = array<i32>} : memref<80x32xf32, #tpu.memory_space<vmem>>, vector<1x16xf32>,
        %parallel_loop3A_133 = arith.index_cast %parallel_loop3A_123 : i32 to index
        %parallel_loop3A_134 = arith.constant 16 : index
        %parallel_loop3A_135 = tpu.vector_load %arg6[%parallel_loop3A_133, %parallel_loop3A_134] {strides = array<i32>} : memref<80x128xf32, #tpu.memory_space<vmem>>, vector<1x16xf32>,
        %parallel_loop3A_136 = vector.shape_cast %parallel_loop3A_135 : vector<1x16xf32> to vector<16xf32>
        %parallel_loop3A_137 = arith.index_cast %parallel_loop3A_123 : i32 to index
        %parallel_loop3A_138 = arith.constant 16 : index
        %parallel_loop3A_139 = tpu.vector_load %arg10[%parallel_loop3A_137, %parallel_loop3A_138] {strides = array<i32>} : memref<80x32xf32, #tpu.memory_space<vmem>>, vector<1x16xf32>,
        %parallel_loop3A_140 = vector.shape_cast %parallel_loop3A_139 : vector<1x16xf32> to vector<16xf32>
        %parallel_loop3A_141 = vector.shape_cast %parallel_loop3A_136 : vector<16xf32> to vector<1x16xf32>
        tpu.vector_store %arg10[%parallel_loop3A_137, %parallel_loop3A_138], %parallel_loop3A_141 {strides = array<i32>} : memref<80x32xf32, #tpu.memory_space<vmem>>, vector<1x16xf32>,
      } {sc.loop_unroll_factor = 8 : i64, sc.parallel_access}
      %add3A_50 = arith.constant 0 : i32
      %add3A_51 = arith.addi %mul3A_13, %add3A_50 : i32
      %mul3A_52 = arith.constant 80 : i32
      %mul3A_53 = arith.muli %add3A_51, %mul3A_52 : i32
      %add3A_54 = arith.addi %mul3A_2, %mul3A_53 : i32
      %dma_start3A_55 = arith.constant 0 : i32
      %dma_start3A_56 = tpu.memref_slice %arg4[%add3A_54, %dma_start3A_55] : memref<819200x32xf32, #tpu.memory_space<hbm>> -> memref<80x32xf32, #tpu.memory_space<hbm>>
      %dma_start3A_57 = arith.constant 0 : i32
      %dma_start3A_58 = tpu.memref_slice %arg4[%add3A_54, %dma_start3A_57] : memref<819200x32xf32, #tpu.memory_space<hbm>> -> memref<80x32xf32, #tpu.memory_space<hbm>>
      tpu.enqueue_dma source(%arg10 : memref<80x32xf32, #tpu.memory_space<vmem>>) target(%dma_start3A_58 : memref<80x32xf32, #tpu.memory_space<hbm>>) target_semaphore(%arg18 : memref<!tpu.dma_semaphore, #tpu.memory_space<semaphore_mem>>)
      %dma_wait3A_59 = tpu.memref_slice %arg5[%mul3A_24] : memref<25600xi32, #tpu.memory_space<vmem>> -> memref<80xi32, #tpu.memory_space<vmem>>
      %dma_wait3A_60 = arith.constant 0 : i32
      %dma_wait3A_61 = arith.constant 0 : i32
      %dma_wait3A_62 = tpu.memref_slice %arg2[%dma_wait3A_60, %dma_wait3A_61] : memref<100000x128xf32, #tpu.memory_space<hbm>> -> memref<100000x128xf32, #tpu.memory_space<hbm>>
      tpu.wait_indirect_dma semaphore(%arg15 : memref<!tpu.dma_semaphore, #tpu.memory_space<semaphore_mem>>) src(%dma_wait3A_62 : memref<100000x128xf32, #tpu.memory_space<hbm>>) dst(%arg7 : memref<80x128xf32, #tpu.memory_space<vmem>>)
      %parallel_loop3A_63 = arith.constant 0 : i32
      %parallel_loop3A_64 = arith.constant 80 : i32
      %parallel_loop3A_65 = arith.constant 1 : i32
      scf.for %parallel_loop3A_123 = %parallel_loop3A_63 to %parallel_loop3A_64 step %parallel_loop3A_65  : i32 {
        %parallel_loop3A_124 = arith.index_cast %parallel_loop3A_123 : i32 to index
        %parallel_loop3A_125 = arith.constant 0 : index
        %parallel_loop3A_126 = tpu.vector_load %arg7[%parallel_loop3A_124, %parallel_loop3A_125] {strides = array<i32>} : memref<80x128xf32, #tpu.memory_space<vmem>>, vector<1x16xf32>,
        %parallel_loop3A_127 = vector.shape_cast %parallel_loop3A_126 : vector<1x16xf32> to vector<16xf32>
        %parallel_loop3A_128 = arith.index_cast %parallel_loop3A_123 : i32 to index
        %parallel_loop3A_129 = arith.constant 0 : index
        %parallel_loop3A_130 = tpu.vector_load %arg11[%parallel_loop3A_128, %parallel_loop3A_129] {strides = array<i32>} : memref<80x32xf32, #tpu.memory_space<vmem>>, vector<1x16xf32>,
        %parallel_loop3A_131 = vector.shape_cast %parallel_loop3A_130 : vector<1x16xf32> to vector<16xf32>
        %parallel_loop3A_132 = vector.shape_cast %parallel_loop3A_127 : vector<16xf32> to vector<1x16xf32>
        tpu.vector_store %arg11[%parallel_loop3A_128, %parallel_loop3A_129], %parallel_loop3A_132 {strides = array<i32>} : memref<80x32xf32, #tpu.memory_space<vmem>>, vector<1x16xf32>,
        %parallel_loop3A_133 = arith.index_cast %parallel_loop3A_123 : i32 to index
        %parallel_loop3A_134 = arith.constant 16 : index
        %parallel_loop3A_135 = tpu.vector_load %arg7[%parallel_loop3A_133, %parallel_loop3A_134] {strides = array<i32>} : memref<80x128xf32, #tpu.memory_space<vmem>>, vector<1x16xf32>,
        %parallel_loop3A_136 = vector.shape_cast %parallel_loop3A_135 : vector<1x16xf32> to vector<16xf32>
        %parallel_loop3A_137 = arith.index_cast %parallel_loop3A_123 : i32 to index
        %parallel_loop3A_138 = arith.constant 16 : index
        %parallel_loop3A_139 = tpu.vector_load %arg11[%parallel_loop3A_137, %parallel_loop3A_138] {strides = array<i32>} : memref<80x32xf32, #tpu.memory_space<vmem>>, vector<1x16xf32>,
        %parallel_loop3A_140 = vector.shape_cast %parallel_loop3A_139 : vector<1x16xf32> to vector<16xf32>
        %parallel_loop3A_141 = vector.shape_cast %parallel_loop3A_136 : vector<16xf32> to vector<1x16xf32>
        tpu.vector_store %arg11[%parallel_loop3A_137, %parallel_loop3A_138], %parallel_loop3A_141 {strides = array<i32>} : memref<80x32xf32, #tpu.memory_space<vmem>>, vector<1x16xf32>,
      } {sc.loop_unroll_factor = 8 : i64, sc.parallel_access}
      %add3A_66 = arith.constant 1 : i32
      %add3A_67 = arith.addi %mul3A_13, %add3A_66 : i32
      %mul3A_68 = arith.constant 80 : i32
      %mul3A_69 = arith.muli %add3A_67, %mul3A_68 : i32
      %add3A_70 = arith.addi %mul3A_2, %mul3A_69 : i32
      %dma_start3A_71 = arith.constant 0 : i32
      %dma_start3A_72 = tpu.memref_slice %arg4[%add3A_70, %dma_start3A_71] : memref<819200x32xf32, #tpu.memory_space<hbm>> -> memref<80x32xf32, #tpu.memory_space<hbm>>
      %dma_start3A_73 = arith.constant 0 : i32
      %dma_start3A_74 = tpu.memref_slice %arg4[%add3A_70, %dma_start3A_73] : memref<819200x32xf32, #tpu.memory_space<hbm>> -> memref<80x32xf32, #tpu.memory_space<hbm>>
      tpu.enqueue_dma source(%arg11 : memref<80x32xf32, #tpu.memory_space<vmem>>) target(%dma_start3A_74 : memref<80x32xf32, #tpu.memory_space<hbm>>) target_semaphore(%arg19 : memref<!tpu.dma_semaphore, #tpu.memory_space<semaphore_mem>>)
      %dma_wait3A_75 = tpu.memref_slice %arg5[%mul3A_32] : memref<25600xi32, #tpu.memory_space<vmem>> -> memref<80xi32, #tpu.memory_space<vmem>>
      %dma_wait3A_76 = arith.constant 0 : i32
      %dma_wait3A_77 = arith.constant 0 : i32
      %dma_wait3A_78 = tpu.memref_slice %arg2[%dma_wait3A_76, %dma_wait3A_77] : memref<100000x128xf32, #tpu.memory_space<hbm>> -> memref<100000x128xf32, #tpu.memory_space<hbm>>
      tpu.wait_indirect_dma semaphore(%arg16 : memref<!tpu.dma_semaphore, #tpu.memory_space<semaphore_mem>>) src(%dma_wait3A_78 : memref<100000x128xf32, #tpu.memory_space<hbm>>) dst(%arg8 : memref<80x128xf32, #tpu.memory_space<vmem>>)
      %parallel_loop3A_79 = arith.constant 0 : i32
      %parallel_loop3A_80 = arith.constant 80 : i32
      %parallel_loop3A_81 = arith.constant 1 : i32
      scf.for %parallel_loop3A_123 = %parallel_loop3A_79 to %parallel_loop3A_80 step %parallel_loop3A_81  : i32 {
        %parallel_loop3A_124 = arith.index_cast %parallel_loop3A_123 : i32 to index
        %parallel_loop3A_125 = arith.constant 0 : index
        %parallel_loop3A_126 = tpu.vector_load %arg8[%parallel_loop3A_124, %parallel_loop3A_125] {strides = array<i32>} : memref<80x128xf32, #tpu.memory_space<vmem>>, vector<1x16xf32>,
        %parallel_loop3A_127 = vector.shape_cast %parallel_loop3A_126 : vector<1x16xf32> to vector<16xf32>
        %parallel_loop3A_128 = arith.index_cast %parallel_loop3A_123 : i32 to index
        %parallel_loop3A_129 = arith.constant 0 : index
        %parallel_loop3A_130 = tpu.vector_load %arg12[%parallel_loop3A_128, %parallel_loop3A_129] {strides = array<i32>} : memref<80x32xf32, #tpu.memory_space<vmem>>, vector<1x16xf32>,
        %parallel_loop3A_131 = vector.shape_cast %parallel_loop3A_130 : vector<1x16xf32> to vector<16xf32>
        %parallel_loop3A_132 = vector.shape_cast %parallel_loop3A_127 : vector<16xf32> to vector<1x16xf32>
        tpu.vector_store %arg12[%parallel_loop3A_128, %parallel_loop3A_129], %parallel_loop3A_132 {strides = array<i32>} : memref<80x32xf32, #tpu.memory_space<vmem>>, vector<1x16xf32>,
        %parallel_loop3A_133 = arith.index_cast %parallel_loop3A_123 : i32 to index
        %parallel_loop3A_134 = arith.constant 16 : index
        %parallel_loop3A_135 = tpu.vector_load %arg8[%parallel_loop3A_133, %parallel_loop3A_134] {strides = array<i32>} : memref<80x128xf32, #tpu.memory_space<vmem>>, vector<1x16xf32>,
        %parallel_loop3A_136 = vector.shape_cast %parallel_loop3A_135 : vector<1x16xf32> to vector<16xf32>
        %parallel_loop3A_137 = arith.index_cast %parallel_loop3A_123 : i32 to index
        %parallel_loop3A_138 = arith.constant 16 : index
        %parallel_loop3A_139 = tpu.vector_load %arg12[%parallel_loop3A_137, %parallel_loop3A_138] {strides = array<i32>} : memref<80x32xf32, #tpu.memory_space<vmem>>, vector<1x16xf32>,
        %parallel_loop3A_140 = vector.shape_cast %parallel_loop3A_139 : vector<1x16xf32> to vector<16xf32>
        %parallel_loop3A_141 = vector.shape_cast %parallel_loop3A_136 : vector<16xf32> to vector<1x16xf32>
        tpu.vector_store %arg12[%parallel_loop3A_137, %parallel_loop3A_138], %parallel_loop3A_141 {strides = array<i32>} : memref<80x32xf32, #tpu.memory_space<vmem>>, vector<1x16xf32>,
      } {sc.loop_unroll_factor = 8 : i64, sc.parallel_access}
      %add3A_82 = arith.constant 2 : i32
      %add3A_83 = arith.addi %mul3A_13, %add3A_82 : i32
      %mul3A_84 = arith.constant 80 : i32
      %mul3A_85 = arith.muli %add3A_83, %mul3A_84 : i32
      %add3A_86 = arith.addi %mul3A_2, %mul3A_85 : i32
      %dma_start3A_87 = arith.constant 0 : i32
      %dma_start3A_88 = tpu.memref_slice %arg4[%add3A_86, %dma_start3A_87] : memref<819200x32xf32, #tpu.memory_space<hbm>> -> memref<80x32xf32, #tpu.memory_space<hbm>>
      %dma_start3A_89 = arith.constant 0 : i32
      %dma_start3A_90 = tpu.memref_slice %arg4[%add3A_86, %dma_start3A_89] : memref<819200x32xf32, #tpu.memory_space<hbm>> -> memref<80x32xf32, #tpu.memory_space<hbm>>
      tpu.enqueue_dma source(%arg12 : memref<80x32xf32, #tpu.memory_space<vmem>>) target(%dma_start3A_90 : memref<80x32xf32, #tpu.memory_space<hbm>>) target_semaphore(%arg20 : memref<!tpu.dma_semaphore, #tpu.memory_space<semaphore_mem>>)
      %dma_wait3A_91 = tpu.memref_slice %arg5[%mul3A_40] : memref<25600xi32, #tpu.memory_space<vmem>> -> memref<80xi32, #tpu.memory_space<vmem>>
      %dma_wait3A_92 = arith.constant 0 : i32
      %dma_wait3A_93 = arith.constant 0 : i32
      %dma_wait3A_94 = tpu.memref_slice %arg2[%dma_wait3A_92, %dma_wait3A_93] : memref<100000x128xf32, #tpu.memory_space<hbm>> -> memref<100000x128xf32, #tpu.memory_space<hbm>>
      tpu.wait_indirect_dma semaphore(%arg17 : memref<!tpu.dma_semaphore, #tpu.memory_space<semaphore_mem>>) src(%dma_wait3A_94 : memref<100000x128xf32, #tpu.memory_space<hbm>>) dst(%arg9 : memref<80x128xf32, #tpu.memory_space<vmem>>)
      %parallel_loop3A_95 = arith.constant 0 : i32
      %parallel_loop3A_96 = arith.constant 80 : i32
      %parallel_loop3A_97 = arith.constant 1 : i32
      scf.for %parallel_loop3A_123 = %parallel_loop3A_95 to %parallel_loop3A_96 step %parallel_loop3A_97  : i32 {
        %parallel_loop3A_124 = arith.index_cast %parallel_loop3A_123 : i32 to index
        %parallel_loop3A_125 = arith.constant 0 : index
        %parallel_loop3A_126 = tpu.vector_load %arg9[%parallel_loop3A_124, %parallel_loop3A_125] {strides = array<i32>} : memref<80x128xf32, #tpu.memory_space<vmem>>, vector<1x16xf32>,
        %parallel_loop3A_127 = vector.shape_cast %parallel_loop3A_126 : vector<1x16xf32> to vector<16xf32>
        %parallel_loop3A_128 = arith.index_cast %parallel_loop3A_123 : i32 to index
        %parallel_loop3A_129 = arith.constant 0 : index
        %parallel_loop3A_130 = tpu.vector_load %arg13[%parallel_loop3A_128, %parallel_loop3A_129] {strides = array<i32>} : memref<80x32xf32, #tpu.memory_space<vmem>>, vector<1x16xf32>,
        %parallel_loop3A_131 = vector.shape_cast %parallel_loop3A_130 : vector<1x16xf32> to vector<16xf32>
        %parallel_loop3A_132 = vector.shape_cast %parallel_loop3A_127 : vector<16xf32> to vector<1x16xf32>
        tpu.vector_store %arg13[%parallel_loop3A_128, %parallel_loop3A_129], %parallel_loop3A_132 {strides = array<i32>} : memref<80x32xf32, #tpu.memory_space<vmem>>, vector<1x16xf32>,
        %parallel_loop3A_133 = arith.index_cast %parallel_loop3A_123 : i32 to index
        %parallel_loop3A_134 = arith.constant 16 : index
        %parallel_loop3A_135 = tpu.vector_load %arg9[%parallel_loop3A_133, %parallel_loop3A_134] {strides = array<i32>} : memref<80x128xf32, #tpu.memory_space<vmem>>, vector<1x16xf32>,
        %parallel_loop3A_136 = vector.shape_cast %parallel_loop3A_135 : vector<1x16xf32> to vector<16xf32>
        %parallel_loop3A_137 = arith.index_cast %parallel_loop3A_123 : i32 to index
        %parallel_loop3A_138 = arith.constant 16 : index
        %parallel_loop3A_139 = tpu.vector_load %arg13[%parallel_loop3A_137, %parallel_loop3A_138] {strides = array<i32>} : memref<80x32xf32, #tpu.memory_space<vmem>>, vector<1x16xf32>,
        %parallel_loop3A_140 = vector.shape_cast %parallel_loop3A_139 : vector<1x16xf32> to vector<16xf32>
        %parallel_loop3A_141 = vector.shape_cast %parallel_loop3A_136 : vector<16xf32> to vector<1x16xf32>
        tpu.vector_store %arg13[%parallel_loop3A_137, %parallel_loop3A_138], %parallel_loop3A_141 {strides = array<i32>} : memref<80x32xf32, #tpu.memory_space<vmem>>, vector<1x16xf32>,
      } {sc.loop_unroll_factor = 8 : i64, sc.parallel_access}
      %add3A_98 = arith.constant 3 : i32
      %add3A_99 = arith.addi %mul3A_13, %add3A_98 : i32
      %mul3A_100 = arith.constant 80 : i32
      %mul3A_101 = arith.muli %add3A_99, %mul3A_100 : i32
      %add3A_102 = arith.addi %mul3A_2, %mul3A_101 : i32
      %dma_start3A_103 = arith.constant 0 : i32
      %dma_start3A_104 = tpu.memref_slice %arg4[%add3A_102, %dma_start3A_103] : memref<819200x32xf32, #tpu.memory_space<hbm>> -> memref<80x32xf32, #tpu.memory_space<hbm>>
      %dma_start3A_105 = arith.constant 0 : i32
      %dma_start3A_106 = tpu.memref_slice %arg4[%add3A_102, %dma_start3A_105] : memref<819200x32xf32, #tpu.memory_space<hbm>> -> memref<80x32xf32, #tpu.memory_space<hbm>>
      tpu.enqueue_dma source(%arg13 : memref<80x32xf32, #tpu.memory_space<vmem>>) target(%dma_start3A_106 : memref<80x32xf32, #tpu.memory_space<hbm>>) target_semaphore(%arg21 : memref<!tpu.dma_semaphore, #tpu.memory_space<semaphore_mem>>)
      %dma_wait3A_107 = arith.constant 0 : i32
      %dma_wait3A_108 = tpu.memref_slice %arg4[%add3A_54, %dma_wait3A_107] : memref<819200x32xf32, #tpu.memory_space<hbm>> -> memref<80x32xf32, #tpu.memory_space<hbm>>
      %dma_wait3A_109 = arith.constant 0 : i32
      %dma_wait3A_110 = tpu.memref_slice %arg4[%add3A_54, %dma_wait3A_109] : memref<819200x32xf32, #tpu.memory_space<hbm>> -> memref<80x32xf32, #tpu.memory_space<hbm>>
      tpu.wait_dma2 semaphore(%arg18 : memref<!tpu.dma_semaphore, #tpu.memory_space<semaphore_mem>>) src(%arg10 : memref<80x32xf32, #tpu.memory_space<vmem>>) dst(%dma_wait3A_110 : memref<80x32xf32, #tpu.memory_space<hbm>>)
      %dma_wait3A_111 = arith.constant 0 : i32
      %dma_wait3A_112 = tpu.memref_slice %arg4[%add3A_70, %dma_wait3A_111] : memref<819200x32xf32, #tpu.memory_space<hbm>> -> memref<80x32xf32, #tpu.memory_space<hbm>>
      %dma_wait3A_113 = arith.constant 0 : i32
      %dma_wait3A_114 = tpu.memref_slice %arg4[%add3A_70, %dma_wait3A_113] : memref<819200x32xf32, #tpu.memory_space<hbm>> -> memref<80x32xf32, #tpu.memory_space<hbm>>
      tpu.wait_dma2 semaphore(%arg19 : memref<!tpu.dma_semaphore, #tpu.memory_space<semaphore_mem>>) src(%arg11 : memref<80x32xf32, #tpu.memory_space<vmem>>) dst(%dma_wait3A_114 : memref<80x32xf32, #tpu.memory_space<hbm>>)
      %dma_wait3A_115 = arith.constant 0 : i32
      %dma_wait3A_116 = tpu.memref_slice %arg4[%add3A_86, %dma_wait3A_115] : memref<819200x32xf32, #tpu.memory_space<hbm>> -> memref<80x32xf32, #tpu.memory_space<hbm>>
      %dma_wait3A_117 = arith.constant 0 : i32
      %dma_wait3A_118 = tpu.memref_slice %arg4[%add3A_86, %dma_wait3A_117] : memref<819200x32xf32, #tpu.memory_space<hbm>> -> memref<80x32xf32, #tpu.memory_space<hbm>>
      tpu.wait_dma2 semaphore(%arg20 : memref<!tpu.dma_semaphore, #tpu.memory_space<semaphore_mem>>) src(%arg12 : memref<80x32xf32, #tpu.memory_space<vmem>>) dst(%dma_wait3A_118 : memref<80x32xf32, #tpu.memory_space<hbm>>)
      %dma_wait3A_119 = arith.constant 0 : i32
      %dma_wait3A_120 = tpu.memref_slice %arg4[%add3A_102, %dma_wait3A_119] : memref<819200x32xf32, #tpu.memory_space<hbm>> -> memref<80x32xf32, #tpu.memory_space<hbm>>
      %dma_wait3A_121 = arith.constant 0 : i32
      %dma_wait3A_122 = tpu.memref_slice %arg4[%add3A_102, %dma_wait3A_121] : memref<819200x32xf32, #tpu.memory_space<hbm>> -> memref<80x32xf32, #tpu.memory_space<hbm>>
      tpu.wait_dma2 semaphore(%arg21 : memref<!tpu.dma_semaphore, #tpu.memory_space<semaphore_mem>>) src(%arg13 : memref<80x32xf32, #tpu.memory_space<vmem>>) dst(%dma_wait3A_122 : memref<80x32xf32, #tpu.memory_space<hbm>>)
    }
    %scan3A_6 = arith.constant 80 : i32
    return
  }
}

module attributes {stable_mosaic.version = 14 : i64} {
  func.func @_pad_kernel(%arg0: i32, %arg1: memref<2000x32xf32, #tpu.memory_space<vmem>>, %arg2: memref<2000x128xf32, #tpu.memory_space<vmem>>) attributes {dimension_semantics = [#tpu.dimension_semantics<arbitrary>], iteration_bounds = array<i64: 50>, scalar_prefetch = 0 : i64, scratch_operands = 0 : i64, tpu.core_type = #tpu.core_type<tc>, window_params = [{transform_indices = @transform_0, window_bounds = array<i64: 2000, 32>}, {transform_indices = @transform_1, window_bounds = array<i64: 2000, 128>}]} {
    %get3A = arith.constant 0 : index
    %get3A_0 = arith.constant 0 : index
    %get3A_1 = vector.load %arg1[%get3A, %get3A_0] : memref<2000x32xf32, #tpu.memory_space<vmem>>, vector<2000x32xf32>
    %swap3A = arith.constant 0 : index
    %swap3A_2 = arith.constant 0 : index
    %swap3A_3 = vector.load %arg2[%swap3A, %swap3A_2] : memref<2000x128xf32, #tpu.memory_space<vmem>>, vector<2000x32xf32>
    tpu.vector_store %arg2[%swap3A, %swap3A_2], %get3A_1 {strides = array<i32>} : memref<2000x128xf32, #tpu.memory_space<vmem>>, vector<2000x32xf32>,
    return
  }
  func.func @transform_0(%arg0: i32) -> (i32, i32) {
    %c0_i32 = arith.constant 0 : i32
    %c0_i32_0 = arith.constant 0 : i32
    return %arg0, %c0_i32 : i32, i32
  }
  func.func @transform_1(%arg0: i32) -> (i32, i32) {
    %c0_i32 = arith.constant 0 : i32
    %c0_i32_0 = arith.constant 0 : i32
    return %arg0, %c0_i32 : i32, i32
  }
}

</mosaic_0001>

<sc_bundles>
// kernel: kernel.4.cloned.1.call-start
scs
__scs_entry_jumppad:
0x0: {  	(pc) =	sbr.rel $0x88, $3  }
0x1: {  	(tag) =	ssettag $0x0;
	lr =	simm.s32 $0x1  }
0x2: {  	[smem:$0x3F9F] =	sst lr;
	_ =	strace $0xD0000000  }
0x3: {  	_ = 	snop  }
0x4: {  	_ = 	snop  }
0x5: {  	_ = 	snop  }
0x6: {  	_ = 	snop  }
0x7: {  	_ = 	snop  }
__scs_overlays_trampoline_lowered:
0x8: {  	[smem:$0x3FAE] =	sst s0  }
0x9: {  	[smem:$0x3FAF] =	sst s1  }
0xa: {  	[smem:$0x3FB0] =	sst s2  }
0xb: {  	[smem:$0x3FB1] =	sst s3  }
0xc: {  	[smem:$0x3FB2] =	sst s4  }
0xd: {  	[smem:$0x3FB3] =	sst s5  }
0xe: {  	[smem:$0x3FB4] =	sst s6  }
0xf: {  	[smem:$0x3FB5] =	sst s7  }
0x10: {  	[smem:$0x3FB6] =	sst s8  }
0x11: {  	[smem:$0x3FB7] =	sst s9;
	s0 =	simm.s32 @!p0 $0x0  }
0x12: {  	s1 =	sld [smem:$0x3F9D];
	s0 =	simm.s32 @p0 $0x1  }
0x13: {  	[smem:$0x3FB8] =	sst s0;
	s0 =	simm.s32 @!p1 $0x0  }
0x14: {  	s2 =	sld [smem:$0x3F9C];
	s0 =	simm.s32 @p1 $0x1  }
0x15: {  	[smem:$0x3FB9] =	sst s0;
	s0 =	simm.s32 @!p2 $0x0  }
0x16: {  	s3 =	sld [smem:$0x3FDB];
	s0 =	simm.s32 @p2 $0x1  }
0x17: {  	s4 =	simm.s32 $0x1BF5;
	[smem:$0x3FBB] =	sst s0  }
0x18: {  	s0 =	sld [smem:$0x3F9E];
	_ =	swait.ge [sflag:s4], $0x0  }
0x19: {  	s7 =	sld [smem:$0x3F9F]  }
0x1a: {  	s8 =	sadd.s32 $0xFFFFE003, lr  }
0x1b: {  	s9 =	sadd.s32 $0xFFFFFEF7, lr;
	s5 =	simm.s32 $0xFFFFFFFF;
	p2 =	slt.u32 s8, $0xFFFFF086  }
0x1c: {  	p1 =	slt.u32 s9, $0xF7A;
	s5 =	simm.s32 @!p2 $0x0  }
0x1d: {  	s5 =	simm.s32 @p1 $0x1;
	p0 =	seq.s32 s7, s2  }
0x1e: {  	s7 =	smul.u32 @!p0 $0xF7A, s2;
	p2 =	seq.s32 @!p0 s5, $0x0  }
0x1f: {  	s9 =	smul.u32 $0xF7A, s1;
	s8 =	simm.s32 @!p0 $0x1BF5;
	p2 =	por !p2, p0  }
0x20: {  	[sflag:s8] =	ssyncset.s32 @!p0 $0xFFFFF086;
	s6 =	sadd.s32 @!p0 s3, s7;
	s7 =	simm.s32 @!p0 $0x108  }
0x21: {  	s3 =	sadd.s32 s3, s9;
	s6 =	sadd.s32 @!p0 $0x88, s6;
	s7 =	simm.s32 @p2 $0x1082  }
0x22: {  	[simem:s7], [sflag:s8] =	dma.local @!p0 [hbm:s6], $0xF7A  }
0x23: {  	s9 =	sor.u32 $0xD0000000, s2;
	s6 =	simm.s32 $0x108;
	_ =	swait.ge @!p0 [sflag:s8], $0x0  }
0x24: {  	s3 =	sadd.s32 $0x88, s3;
	s6 =	simm.s32 @!p1 $0x1082;
	[sflag:s4] =	ssyncset.s32 $0xFFFFF086  }
0x25: {  	[simem:s6], [sflag:s4] =	dma.local [hbm:s3], $0xF7A  }
0x26: {  	[smem:$0x3F9F] =	sst s1;
	(tag) =	ssettag s2;
	_ =	strace s9  }
0x27: {  	s1 =	sld [smem:$0x3FAF]  }
0x28: {  	s2 =	sld [smem:$0x3FB0]  }
0x29: {  	s4 =	sld [smem:$0x3FB2]  }
0x2a: {  	p0 =	seq.s32 s5, $0x0;
	s5 =	sld [smem:$0x3FB3]  }
0x2b: {  	s6 =	sld [smem:$0x3FB4]  }
0x2c: {  	s7 =	sld [smem:$0x3FB5]  }
0x2d: {  	s3 =	simm.s32 $0x108;
	s8 =	sld [smem:$0x3FB6]  }
0x2e: {  	s3 =	simm.s32 @!p0 $0x1082;
	s9 =	sld [smem:$0x3FB7]  }
0x2f: {  	lr =	sadd.s32 s0, s3;
	s0 =	sld [smem:$0x3FAE]  }
0x30: {  	s3 =	sld [smem:$0x3FB1]  }
0x31: {  	[smem:$0x3FBA] =	sst s10  }
0x32: {  	s10 =	sld [smem:$0x3FB8];
	_ =	sdelay $0x3  }
0x33: {  	p0 =	seq.s32 s10, $0x1;
	s10 =	sld [smem:$0x3FBA];
	_ =	sdelay $0x3  }
0x34: {  	[smem:$0x3FBA] =	sst s10  }
0x35: {  	s10 =	sld [smem:$0x3FB9];
	_ =	sdelay $0x3  }
0x36: {  	p1 =	seq.s32 s10, $0x1;
	s10 =	sld [smem:$0x3FBA];
	_ =	sdelay $0x3  }
0x37: {  	[smem:$0x3FBA] =	sst s10  }
0x38: {  	s10 =	sld [smem:$0x3FBB]  }
0x39: {  	_ = 	snop;
	(pc) =	sbr.ind lr, $3  }
0x3a: {  	_ = 	snop  }
0x3b: {  	_ = 	snop  }
0x3c: {  	p2 =	seq.s32 s10, $0x1;
	s10 =	sld [smem:$0x3FBA]  }
0x3d: {  	_ =	shalt  }
0x3e: {  	_ =	shalt  }
0x3f: {  	_ =	shalt  }
0x40: {  	_ =	shalt  }
0x41: {  	_ =	shalt  }
0x42: {  	_ =	shalt  }
0x43: {  	_ =	shalt  }
0x44: {  	_ =	shalt  }
0x45: {  	_ =	shalt  }
0x46: {  	_ =	shalt  }
0x47: {  	_ =	shalt  }
0x48: {  	_ =	shalt  }
0x49: {  	_ =	shalt  }
0x4a: {  	_ =	shalt  }
0x4b: {  	_ =	shalt  }
0x4c: {  	_ =	shalt  }
0x4d: {  	_ =	shalt  }
0x4e: {  	_ =	shalt  }
0x4f: {  	_ =	shalt  }
0x50: {  	_ =	shalt  }
0x51: {  	_ =	shalt  }
0x52: {  	_ =	shalt  }
0x53: {  	_ =	shalt  }
0x54: {  	_ =	shalt  }
0x55: {  	_ =	shalt  }
0x56: {  	_ =	shalt  }
0x57: {  	_ =	shalt  }
0x58: {  	_ =	shalt  }
0x59: {  	_ =	shalt  }
0x5a: {  	_ =	shalt  }
0x5b: {  	_ =	shalt  }
0x5c: {  	_ =	shalt  }
0x5d: {  	_ =	shalt  }
0x5e: {  	_ =	shalt  }
0x5f: {  	_ =	shalt  }
0x60: {  	_ =	shalt  }
0x61: {  	_ =	shalt  }
0x62: {  	_ =	shalt  }
0x63: {  	_ =	shalt  }
0x64: {  	_ =	shalt  }
0x65: {  	_ =	shalt  }
0x66: {  	_ =	shalt  }
0x67: {  	_ =	shalt  }
0x68: {  	_ =	shalt  }
0x69: {  	_ =	shalt  }
0x6a: {  	_ =	shalt  }
0x6b: {  	_ =	shalt  }
0x6c: {  	_ =	shalt  }
0x6d: {  	_ =	shalt  }
0x6e: {  	_ =	shalt  }
0x6f: {  	_ =	shalt  }
0x70: {  	_ =	shalt  }
0x71: {  	_ =	shalt  }
0x72: {  	_ =	shalt  }
0x73: {  	_ =	shalt  }
0x74: {  	_ =	shalt  }
0x75: {  	_ =	shalt  }
0x76: {  	_ =	shalt  }
0x77: {  	_ =	shalt  }
0x78: {  	_ =	shalt  }
0x79: {  	_ =	shalt  }
0x7a: {  	_ =	shalt  }
0x7b: {  	_ =	shalt  }
0x7c: {  	_ =	shalt  }
0x7d: {  	_ =	shalt  }
0x7e: {  	_ =	shalt  }
0x7f: {  	_ =	shalt  }
0x80: {  	_ =	shalt  }
0x81: {  	_ =	shalt  }
0x82: {  	_ =	shalt  }
0x83: {  	_ =	shalt  }
0x84: {  	_ =	shalt  }
0x85: {  	_ =	shalt  }
0x86: {  	_ =	shalt  }
0x87: {  	_ =	shalt  }
.Lfunc_end0:
.L_simem_size_0:
called_computation.1_lowered:
.L_overlay_start_0:
0x88: {  	s2 =	sld [smem:$0x3FD9]  }
0x89: {  	s3 =	sld [smem:$0x3FFE];
	_ =	sdelay $0x1  }
0x8a: {  	s1 =	srdreg.scid  }
0x8b: {  	s0 =	sand.u32 $0x1, s1  }
0x8c: {  	s16 =	sshll.u32 s0, $0xA;
	s2 =	sadd.s32 s3, s2  }
0x8d: {  	s2 =	sadd.s32 s2, s16  }
0x8e: {  	[smem:$0x3FC6] =	sst s2  }
0x8f: {  	_ = 	snop  }
0x90: {  	(tm) =	ssettm $0x1  }
0x91: {  	s17 =	sld [smem:$0x3FFB];
	_ =	sdelay $0x3  }
0x92: {  	_ =	strace s17  }
0x93: {  	s2 =	sld [smem:$0x3FFC];
	_ =	sdelay $0x3  }
0x94: {  	_ =	strace s2  }
0x95: {  	s2 =	sld [smem:$0x3FFD];
	_ =	sdelay $0x3  }
0x96: {  	_ =	strace s2  }
0x97: {  	_ =	strace $0x8FFFFFFF  }
0x98: {  	s18 =	sld [smem:$0x3FDB];
	_ =	sdelay $0x1  }
0x99: {  	s19 =	simm.s32 $_scs_section_size  }
0x9a: {  	s4 =	simm.s32 $_size__tile_overlayer_lowered;
	s5 =	simm.s32 $_tile_overlayer_lowered  }
0x9b: {  	s22 =	simm.s32 $0x1BFF;
	s21 =	sshll.u32 s5, $0x1;
	s2 =	sadd.s32 s19, s18  }
0x9c: {  	s6 =	simm.s32 $0x0;
	s20 =	sshll.u32 s4, $0x1;
	s4 =	sadd.s32 s21, s2  }
0x9d: {  	[timem:s6], [sflag:s22] =	dma.local [hbm:s4], s20  }
0x9e: {  	_ =	swait.ge [sflag:s22], s20  }
0x9f: {  	s3 =	ssub.s32 $0x0, s20;
	[sflag:s22] =	ssyncset.done $0x0  }
0xa0: {  	[sflag:s22] =	ssyncadd.s32 s3;
	_ =	sdelay $0x1  }
0xa1: {  	s23 =	simm.s32 $0x1B8B  }
0xa2: {  	_ =	swait.ge [sflag:s23], $0x1  }
0xa3: {  	[sflag:s23] =	ssyncset.done $0x0  }
0xa4: {  	s25 =	simm.s32 $0x1B8E;
	s24 =	sld [smem:$0x3FFE];
	[sflag:s23] =	ssyncadd.s32 $0xFFFFFFFF  }
0xa5: {  	s26 =	simm.s32 $execute0_lowered;
	[smem:$0x3FD2] =	sst s25  }
0xa6: {  	s4 =	sshll.u32 s26, $0x1;
	_ =	strace $0x80000046;
	[dreg:$0x1] =	wrdreg $0xFFFFFFFF  }
0xa7: {  	s28 =	simm.s32 $_size_execute0_lowered;
	s2 =	sadd.s32 s2, s4;
	[dreg:$0x0] =	wrdreg $0x0  }
0xa8: {  	s4 =	sshll.u32 s28, $0x1;
	[dreg:$0x2] =	wrdreg s2  }
0xa9: {  	[dreg:$0x3] =	wrdreg s4  }
0xaa: {  	[dreg:$0x4] =	wrdreg $0xC0  }
0xab: {  	_ =	task [dreg:s6], $0x5FFFF  }
0xac: {  	[dreg:$0x1] =	wrdreg $0xFFFFFFFF  }
0xad: {  	[dreg:$0x0] =	wrdreg $0x60  }
0xae: {  	[dreg:$0x2] =	wrdreg s24  }
0xaf: {  	[dreg:$0x3] =	wrdreg $0x9  }
0xb0: {  	_ =	task.clear_ibuf [dreg:s6], $0x4FFFF;
	_ =	strace $0x90000046  }
0xb1: {  	s29 =	simm.s32 $0x9;
	_ =	strace $0x80000048  }
0xb2: {  	_ =	swait.ge [sflag:s29], $0x1  }
0xb3: {  	[sflag:s29] =	ssyncadd.s32 $0xFFFFFFFF  }
0xb4: {  	_ =	strace $0x90000048  }
0xb5: {  	_ =	sfence  }
0xb6: {  	s30 =	sld [smem:$0x0];
	_ =	sdelay $0x2  }
0xb7: {  	s31 =	sshll.u32 s1, $0xD;
	s1 =	sshrl.u32 s1, $0x2  }
0xb8: {  	s3 =	sand.u32 $0x4000, s31;
	s1 =	sadd.s32 s1, s30  }
0xb9: {  	s0 =	sor.u32 s3, s0;
	s1 =	sshll.u32 s1, $0x11  }
0xba: {  	s0 =	sor.u32 s1, s0  }
0xbb: {  	s0 =	sadd.s32 $0x8F2B, s0  }
0xbc: {  	[sflag:s0] =	ssyncadd.remote.s32 $0x1  }
0xbd: {  	_ =	sfence.sel $0xFFFF  }
0xbe: {  	[dreg:$0x0] =	wrdreg $0xFFFFFFFF;
	(pc) =	sbr.abs _section_cstart, $3  }
0xbf: {  	[dreg:$0x1] =	wrdreg $0xFFFFFFFF  }
0xc0: {  	_ =	task.clear_ibuf [dreg:s6], $0x2FFFF;
	_ =	strace $0x9FFFFFFF  }
0xc1: {  	(tm) =	ssettm $0x7FFFFFFF  }
tec
execute0_lowered:
.L_overlay_start_1:
0x0: {  	(tag) =	ssettag $0x1  }
0x1: {  	s0 =	srdreg.scid  }
0x2: {  	s2 =	stileid.u32;
	s1 =	rddreg [dreg:$0x0];
	s8 =	simm.s32 $0x9  }
0x3: {  	s9 =	simm.s32 $0x50;
	s10 =	simm.s32 $0x6400;
	s11 =	simm.s32 $0x8C00  }
0x4: {  	s12 =	simm.s32 $0xB400;
	s13 =	simm.s32 $0xDC00;
	s14 =	simm.s32 $0x1  }
0x5: {  	s15 =	simm.s32 $0x10400;
	s16 =	simm.s32 $0x2;
	s17 =	simm.s32 $0x12C00  }
0x6: {  	s18 =	simm.s32 $0x3;
	s19 =	simm.s32 $0x15400;
	s20 =	simm.s32 $0x4  }
0x7: {  	s21 =	simm.s32 $0x17C00;
	s0 =	sand.u32 $0x1, s0;
	s3 =	sshll.u32 s2, $0x1  }
0x8: {  	s22 =	simm.s32 $0x5;
	s23 =	simm.s32 $0x6;
	s3 =	sor.u32 s0, s3  }
0x9: {  	s24 =	simm.s32 $0x7;
	s0 =	ssub.s32 $0x2, s0;
	s3 =	smul.u32 $0x6400, s3  }
0xa: {  	s25 =	simm.s32 $0x8;
	s26 =	simm.s32 $0x0;
	s6 =	sshrl.u32 s0, $0x1  }
0xb: {  	s2 =	simm.s32 $0x0;
	s0 =	ssub.s32 s0, s6;
	s5 =	sshrl.u32 s3, $0x3  }
0xc: {  	[smem:$0x7FF] =	sst s2;
	s0 =	smax.u32 s0, $0x1;
	s7 =	sadd.s32 s5, s1  }
0xd: {  	_ =	strace $0x80000047;
	[dreg:$0x3] =	wrdreg s0;
	s31 =	sadd.s32 $0x800, s7  }
0xe: {  	s4 =	sadd.s32 $0x19800, s1;
	s5 =	sadd.s32 $0x1A0200, s1;
	[dreg:$0x2] =	wrdreg s31  }
.LBB2_1:
0xf: {  	s0 =	rddreg [dreg:$0x2]  }
0x10: {  	[tilespmem:s2], [sflag:$0x9] =	stream.linear.gather [hbm4b:s0+s2], $0x6400, $0x38;
	[tilespmem:$0x1A400] =	vst v63  }
0x11: {  	_ =	swait.ge [sflag:s8], $0x6400  }
0x12: {  	[sflag:s8] =	ssyncset.done $0x0  }
0x13: {  	s28 =	simm.s32 $0x0;
	[sflag:s8] =	ssyncadd.s32 $0xFFFF9C00  }
.LBB2_2:
0x14: {  	s1 =	smul.u32 $0x140, s28;
	_ =	sdelay $0x1  }
0x15: {  	[tilespmem:s10], [sflag:$0x1] =	stream.indirect.gather [hbm4b:s4+s9], $0x80, s1, s9, $0xb8;
	[tilespmem:$0x1A400] =	vst v63  }
0x16: {  	s31 =	sadd.s32 $0x50, s1  }
0x17: {  	[tilespmem:s11], [sflag:$0x2] =	stream.indirect.gather [hbm4b:s4+s9], $0x80, s31, s9, $0xb8;
	[tilespmem:$0x1A400] =	vst v63  }
0x18: {  	s30 =	sadd.s32 $0xA0, s1  }
0x19: {  	[tilespmem:s12], [sflag:$0x3] =	stream.indirect.gather [hbm4b:s4+s9], $0x80, s30, s9, $0xb8;
	[tilespmem:$0x1A400] =	vst v63  }
0x1a: {  	s29 =	sadd.s32 $0xF0, s1  }
0x1b: {  	[tilespmem:s13], [sflag:$0x4] =	stream.indirect.gather [hbm4b:s4+s9], $0x80, s29, s9, $0xb8;
	[tilespmem:$0x1A400] =	vst v63  }
0x1c: {  	_ =	swait.ge [sflag:s14], $0x2800  }
0x1d: {  	[sflag:s14] =	ssyncset.done $0x0  }
0x1e: {  	s7 =	simm.s32 $0x6600;
	[sflag:s14] =	ssyncadd.s32 $0xFFFFD800  }
0x1f: {  	v0 =	vld [tilespmem:s7+$0x180]  }
0x20: {  	v1 =	vld [tilespmem:s7+$0xFFFFFE80]  }
0x21: {  	v2 =	vld [tilespmem:s7+$0xFFFFFF00]  }
0x22: {  	v3 =	vld [tilespmem:s7+$0xFFFFFF80]  }
0x23: {  	s0 =	simm.s32 $0x10600;
	v4 =	vld [tilespmem:s7+$0x0]  }
0x24: {  	v5 =	vld [tilespmem:s7+$0x80];
	[tilespmem:s0+$0x180] =	vst v0  }
0x25: {  	v6 =	vld [tilespmem:s7+$0xFFFFFE00];
	[tilespmem:s0+$0xFFFFFE80] =	vst v1  }
0x26: {  	[tilespmem:s0+$0xFFFFFF00] =	vst v2;
	v1 =	vld [tilespmem:s7+$0x190]  }
0x27: {  	v2 =	vld [tilespmem:s7+$0x100];
	[tilespmem:s0+$0xFFFFFF80] =	vst v3  }
0x28: {  	[tilespmem:s0+$0x0] =	vst v4;
	v7 =	vld [tilespmem:s7+$0xFFFFFE90]  }
0x29: {  	[tilespmem:s0+$0x80] =	vst v5;
	v4 =	vld [tilespmem:s7+$0xFFFFFF10]  }
0x2a: {  	[tilespmem:s0+$0xFFFFFE00] =	vst v6;
	v0 =	vld [tilespmem:s7+$0xFFFFFF90]  }
0x2b: {  	[tilespmem:s0+$0x190] =	vst v1;
	v1 =	vld [tilespmem:s7+$0x10]  }
0x2c: {  	v3 =	vld [tilespmem:s7+$0x90];
	[tilespmem:s0+$0x100] =	vst v2  }
0x2d: {  	v2 =	vld [tilespmem:s7+$0xFFFFFE10];
	[tilespmem:s0+$0xFFFFFE90] =	vst v7  }
0x2e: {  	s6 =	simm.s32 $0x0;
	[tilespmem:s0+$0xFFFFFF10] =	vst v4;
	v4 =	vld [tilespmem:s7+$0x110];
	s7 =	simm.s32 $0x6A00  }
.LBB2_3:
0x2f: {  	v5 =	vld [tilespmem:s7+$0x180];
	s6 =	sadd.s32 $0x8, s6;
	[tilespmem:s0+$0xFFFFFF90] =	vst v0  }
0x30: {  	v0 =	vld [tilespmem:s7+$0xFFFFFE80];
	p0 =	slt.u32 s6, $0x48;
	[tilespmem:s0+$0x10] =	vst v1  }
0x31: {  	v1 =	vld [tilespmem:s7+$0xFFFFFF00];
	[tilespmem:s0+$0x90] =	vst v3  }
0x32: {  	v3 =	vld [tilespmem:s7+$0xFFFFFF80];
	[tilespmem:s0+$0xFFFFFE10] =	vst v2  }
0x33: {  	v2 =	vld [tilespmem:s7+$0x0];
	[tilespmem:s0+$0x110] =	vst v4;
	s0 =	sadd.s32 $0x400, s0  }
0x34: {  	v4 =	vld [tilespmem:s7+$0x80];
	[tilespmem:s0+$0x180] =	vst v5  }
0x35: {  	[tilespmem:s0+$0xFFFFFE80] =	vst v0;
	v5 =	vld [tilespmem:s7+$0x190]  }
0x36: {  	[tilespmem:s0+$0xFFFFFF00] =	vst v1;
	v6 =	vld [tilespmem:s7+$0x100]  }
0x37: {  	v7 =	vld [tilespmem:s7+$0xFFFFFE00];
	[tilespmem:s0+$0xFFFFFF80] =	vst v3  }
0x38: {  	v8 =	vld [tilespmem:s7+$0xFFFFFE90];
	[tilespmem:s0+$0x0] =	vst v2  }
0x39: {  	v9 =	vld [tilespmem:s7+$0xFFFFFF10];
	[tilespmem:s0+$0x80] =	vst v4  }
.Ltmp0:
0x3a: {  	v0 =	vld [tilespmem:s7+$0xFFFFFF90];
	[tilespmem:s0+$0x190] =	vst v5;
	(pc) =	sbr.rel @p0 .LBB2_3-.Ltmp0, $4  }
0x3b: {  	v1 =	vld [tilespmem:s7+$0x10];
	[tilespmem:s0+$0x100] =	vst v6  }
0x3c: {  	[tilespmem:s0+$0xFFFFFE00] =	vst v7;
	v3 =	vld [tilespmem:s7+$0x90]  }
0x3d: {  	v2 =	vld [tilespmem:s7+$0xFFFFFE10];
	[tilespmem:s0+$0xFFFFFE90] =	vst v8  }
0x3e: {  	[tilespmem:s0+$0xFFFFFF10] =	vst v9;
	v4 =	vld [tilespmem:s7+$0x110];
	s7 =	sadd.s32 $0x400, s7  }
0x3f: {  	[tilespmem:s0+$0xFFFFFF90] =	vst v0  }
0x40: {  	[tilespmem:s0+$0x10] =	vst v1  }
0x41: {  	s1 =	sadd.s32 s3, s1;
	[tilespmem:s0+$0x90] =	vst v3  }
0x42: {  	s1 =	sshll.u32 s1, $0x4;
	[tilespmem:s0+$0xFFFFFE10] =	vst v2  }
0x43: {  	s7 =	sadd.s32 s5, s1;
	[tilespmem:s0+$0x110] =	vst v4  }
0x44: {  	[hbm4b:s7+s2] =	stream.linear.scatter [tilespmem:s15], [sflag:$0x5], $0x2800, $0x38;
	[tilespmem:$0x1A400] =	vst v63  }
0x45: {  	_ =	swait.ge [sflag:s16], $0x2800  }
0x46: {  	[sflag:s16] =	ssyncset.done $0x0  }
0x47: {  	s6 =	simm.s32 $0x8E00;
	[sflag:s16] =	ssyncadd.s32 $0xFFFFD800  }
0x48: {  	v0 =	vld [tilespmem:s6+$0x180]  }
0x49: {  	v1 =	vld [tilespmem:s6+$0xFFFFFE80]  }
0x4a: {  	v2 =	vld [tilespmem:s6+$0xFFFFFF00]  }
0x4b: {  	v3 =	vld [tilespmem:s6+$0xFFFFFF80]  }
0x4c: {  	s0 =	simm.s32 $0x12E00;
	v4 =	vld [tilespmem:s6+$0x0]  }
0x4d: {  	v5 =	vld [tilespmem:s6+$0x80];
	[tilespmem:s0+$0x180] =	vst v0  }
0x4e: {  	v6 =	vld [tilespmem:s6+$0xFFFFFE00];
	[tilespmem:s0+$0xFFFFFE80] =	vst v1  }
0x4f: {  	[tilespmem:s0+$0xFFFFFF00] =	vst v2;
	v1 =	vld [tilespmem:s6+$0x190]  }
0x50: {  	v2 =	vld [tilespmem:s6+$0x100];
	[tilespmem:s0+$0xFFFFFF80] =	vst v3  }
0x51: {  	[tilespmem:s0+$0x0] =	vst v4;
	v7 =	vld [tilespmem:s6+$0xFFFFFE90]  }
0x52: {  	[tilespmem:s0+$0x80] =	vst v5;
	v4 =	vld [tilespmem:s6+$0xFFFFFF10]  }
0x53: {  	[tilespmem:s0+$0xFFFFFE00] =	vst v6;
	v0 =	vld [tilespmem:s6+$0xFFFFFF90]  }
0x54: {  	[tilespmem:s0+$0x190] =	vst v1;
	v1 =	vld [tilespmem:s6+$0x10]  }
0x55: {  	v3 =	vld [tilespmem:s6+$0x90];
	[tilespmem:s0+$0x100] =	vst v2  }
0x56: {  	v2 =	vld [tilespmem:s6+$0xFFFFFE10];
	[tilespmem:s0+$0xFFFFFE90] =	vst v7  }
0x57: {  	s1 =	simm.s32 $0x0;
	[tilespmem:s0+$0xFFFFFF10] =	vst v4;
	v4 =	vld [tilespmem:s6+$0x110];
	s6 =	simm.s32 $0x9200  }
.LBB2_5:
0x58: {  	v5 =	vld [tilespmem:s6+$0x180];
	s1 =	sadd.s32 $0x8, s1;
	[tilespmem:s0+$0xFFFFFF90] =	vst v0  }
0x59: {  	v0 =	vld [tilespmem:s6+$0xFFFFFE80];
	p0 =	slt.u32 s1, $0x48;
	[tilespmem:s0+$0x10] =	vst v1  }
0x5a: {  	v1 =	vld [tilespmem:s6+$0xFFFFFF00];
	[tilespmem:s0+$0x90] =	vst v3  }
0x5b: {  	v3 =	vld [tilespmem:s6+$0xFFFFFF80];
	[tilespmem:s0+$0xFFFFFE10] =	vst v2  }
0x5c: {  	v2 =	vld [tilespmem:s6+$0x0];
	[tilespmem:s0+$0x110] =	vst v4;
	s0 =	sadd.s32 $0x400, s0  }
0x5d: {  	v4 =	vld [tilespmem:s6+$0x80];
	[tilespmem:s0+$0x180] =	vst v5  }
0x5e: {  	[tilespmem:s0+$0xFFFFFE80] =	vst v0;
	v5 =	vld [tilespmem:s6+$0x190]  }
0x5f: {  	[tilespmem:s0+$0xFFFFFF00] =	vst v1;
	v6 =	vld [tilespmem:s6+$0x100]  }
0x60: {  	v7 =	vld [tilespmem:s6+$0xFFFFFE00];
	[tilespmem:s0+$0xFFFFFF80] =	vst v3  }
0x61: {  	v8 =	vld [tilespmem:s6+$0xFFFFFE90];
	[tilespmem:s0+$0x0] =	vst v2  }
0x62: {  	v9 =	vld [tilespmem:s6+$0xFFFFFF10];
	[tilespmem:s0+$0x80] =	vst v4  }
.Ltmp1:
0x63: {  	v0 =	vld [tilespmem:s6+$0xFFFFFF90];
	[tilespmem:s0+$0x190] =	vst v5;
	(pc) =	sbr.rel @p0 .LBB2_5-.Ltmp1, $4  }
0x64: {  	v1 =	vld [tilespmem:s6+$0x10];
	[tilespmem:s0+$0x100] =	vst v6  }
0x65: {  	[tilespmem:s0+$0xFFFFFE00] =	vst v7;
	v3 =	vld [tilespmem:s6+$0x90]  }
0x66: {  	v2 =	vld [tilespmem:s6+$0xFFFFFE10];
	[tilespmem:s0+$0xFFFFFE90] =	vst v8  }
0x67: {  	[tilespmem:s0+$0xFFFFFF10] =	vst v9;
	v4 =	vld [tilespmem:s6+$0x110];
	s6 =	sadd.s32 $0x400, s6  }
0x68: {  	[tilespmem:s0+$0xFFFFFF90] =	vst v0  }
0x69: {  	[tilespmem:s0+$0x10] =	vst v1  }
0x6a: {  	s1 =	sadd.s32 s3, s31;
	[tilespmem:s0+$0x90] =	vst v3  }
0x6b: {  	s1 =	sshll.u32 s1, $0x4;
	[tilespmem:s0+$0xFFFFFE10] =	vst v2  }
0x6c: {  	s31 =	sadd.s32 s5, s1;
	[tilespmem:s0+$0x110] =	vst v4  }
0x6d: {  	[hbm4b:s31+s2] =	stream.linear.scatter [tilespmem:s17], [sflag:$0x6], $0x2800, $0x38;
	[tilespmem:$0x1A400] =	vst v63  }
0x6e: {  	_ =	swait.ge [sflag:s18], $0x2800  }
0x6f: {  	[sflag:s18] =	ssyncset.done $0x0  }
0x70: {  	s6 =	simm.s32 $0xB600;
	[sflag:s18] =	ssyncadd.s32 $0xFFFFD800  }
0x71: {  	v0 =	vld [tilespmem:s6+$0x180]  }
0x72: {  	v1 =	vld [tilespmem:s6+$0xFFFFFE80]  }
0x73: {  	v2 =	vld [tilespmem:s6+$0xFFFFFF00]  }
0x74: {  	v3 =	vld [tilespmem:s6+$0xFFFFFF80]  }
0x75: {  	s0 =	simm.s32 $0x15600;
	v4 =	vld [tilespmem:s6+$0x0]  }
0x76: {  	v5 =	vld [tilespmem:s6+$0x80];
	[tilespmem:s0+$0x180] =	vst v0  }
0x77: {  	v6 =	vld [tilespmem:s6+$0xFFFFFE00];
	[tilespmem:s0+$0xFFFFFE80] =	vst v1  }
0x78: {  	[tilespmem:s0+$0xFFFFFF00] =	vst v2;
	v1 =	vld [tilespmem:s6+$0x190]  }
0x79: {  	v2 =	vld [tilespmem:s6+$0x100];
	[tilespmem:s0+$0xFFFFFF80] =	vst v3  }
0x7a: {  	[tilespmem:s0+$0x0] =	vst v4;
	v7 =	vld [tilespmem:s6+$0xFFFFFE90]  }
0x7b: {  	[tilespmem:s0+$0x80] =	vst v5;
	v4 =	vld [tilespmem:s6+$0xFFFFFF10]  }
0x7c: {  	[tilespmem:s0+$0xFFFFFE00] =	vst v6;
	v0 =	vld [tilespmem:s6+$0xFFFFFF90]  }
0x7d: {  	[tilespmem:s0+$0x190] =	vst v1;
	v1 =	vld [tilespmem:s6+$0x10]  }
0x7e: {  	v3 =	vld [tilespmem:s6+$0x90];
	[tilespmem:s0+$0x100] =	vst v2  }
0x7f: {  	v2 =	vld [tilespmem:s6+$0xFFFFFE10];
	[tilespmem:s0+$0xFFFFFE90] =	vst v7  }
0x80: {  	s1 =	simm.s32 $0x0;
	[tilespmem:s0+$0xFFFFFF10] =	vst v4;
	v4 =	vld [tilespmem:s6+$0x110];
	s6 =	simm.s32 $0xBA00  }
.LBB2_7:
0x81: {  	v5 =	vld [tilespmem:s6+$0x180];
	s1 =	sadd.s32 $0x8, s1;
	[tilespmem:s0+$0xFFFFFF90] =	vst v0  }
0x82: {  	v0 =	vld [tilespmem:s6+$0xFFFFFE80];
	p0 =	slt.u32 s1, $0x48;
	[tilespmem:s0+$0x10] =	vst v1  }
0x83: {  	v1 =	vld [tilespmem:s6+$0xFFFFFF00];
	[tilespmem:s0+$0x90] =	vst v3  }
0x84: {  	v3 =	vld [tilespmem:s6+$0xFFFFFF80];
	[tilespmem:s0+$0xFFFFFE10] =	vst v2  }
0x85: {  	v2 =	vld [tilespmem:s6+$0x0];
	[tilespmem:s0+$0x110] =	vst v4;
	s0 =	sadd.s32 $0x400, s0  }
0x86: {  	v4 =	vld [tilespmem:s6+$0x80];
	[tilespmem:s0+$0x180] =	vst v5  }
0x87: {  	[tilespmem:s0+$0xFFFFFE80] =	vst v0;
	v5 =	vld [tilespmem:s6+$0x190]  }
0x88: {  	[tilespmem:s0+$0xFFFFFF00] =	vst v1;
	v6 =	vld [tilespmem:s6+$0x100]  }
0x89: {  	v7 =	vld [tilespmem:s6+$0xFFFFFE00];
	[tilespmem:s0+$0xFFFFFF80] =	vst v3  }
0x8a: {  	v8 =	vld [tilespmem:s6+$0xFFFFFE90];
	[tilespmem:s0+$0x0] =	vst v2  }
0x8b: {  	v9 =	vld [tilespmem:s6+$0xFFFFFF10];
	[tilespmem:s0+$0x80] =	vst v4  }
.Ltmp2:
0x8c: {  	v0 =	vld [tilespmem:s6+$0xFFFFFF90];
	[tilespmem:s0+$0x190] =	vst v5;
	(pc) =	sbr.rel @p0 .LBB2_7-.Ltmp2, $4  }
0x8d: {  	v1 =	vld [tilespmem:s6+$0x10];
	[tilespmem:s0+$0x100] =	vst v6  }
0x8e: {  	[tilespmem:s0+$0xFFFFFE00] =	vst v7;
	v3 =	vld [tilespmem:s6+$0x90]  }
0x8f: {  	v2 =	vld [tilespmem:s6+$0xFFFFFE10];
	[tilespmem:s0+$0xFFFFFE90] =	vst v8  }
0x90: {  	[tilespmem:s0+$0xFFFFFF10] =	vst v9;
	v4 =	vld [tilespmem:s6+$0x110];
	s6 =	sadd.s32 $0x400, s6  }
0x91: {  	[tilespmem:s0+$0xFFFFFF90] =	vst v0  }
0x92: {  	[tilespmem:s0+$0x10] =	vst v1  }
0x93: {  	s1 =	sadd.s32 s3, s30;
	[tilespmem:s0+$0x90] =	vst v3  }
0x94: {  	s1 =	sshll.u32 s1, $0x4;
	[tilespmem:s0+$0xFFFFFE10] =	vst v2  }
0x95: {  	s31 =	sadd.s32 s5, s1;
	[tilespmem:s0+$0x110] =	vst v4  }
0x96: {  	[hbm4b:s31+s2] =	stream.linear.scatter [tilespmem:s19], [sflag:$0x7], $0x2800, $0x38;
	[tilespmem:$0x1A400] =	vst v63  }
0x97: {  	_ =	swait.ge [sflag:s20], $0x2800  }
0x98: {  	[sflag:s20] =	ssyncset.done $0x0  }
0x99: {  	s6 =	simm.s32 $0xDE00;
	[sflag:s20] =	ssyncadd.s32 $0xFFFFD800  }
0x9a: {  	v0 =	vld [tilespmem:s6+$0x180]  }
0x9b: {  	v1 =	vld [tilespmem:s6+$0xFFFFFE80]  }
0x9c: {  	v2 =	vld [tilespmem:s6+$0xFFFFFF00]  }
0x9d: {  	v3 =	vld [tilespmem:s6+$0xFFFFFF80]  }
0x9e: {  	s0 =	simm.s32 $0x17E00;
	v4 =	vld [tilespmem:s6+$0x0]  }
0x9f: {  	v5 =	vld [tilespmem:s6+$0x80];
	[tilespmem:s0+$0x180] =	vst v0  }
0xa0: {  	v6 =	vld [tilespmem:s6+$0xFFFFFE00];
	[tilespmem:s0+$0xFFFFFE80] =	vst v1  }
0xa1: {  	[tilespmem:s0+$0xFFFFFF00] =	vst v2;
	v1 =	vld [tilespmem:s6+$0x190]  }
0xa2: {  	v2 =	vld [tilespmem:s6+$0x100];
	[tilespmem:s0+$0xFFFFFF80] =	vst v3  }
0xa3: {  	[tilespmem:s0+$0x0] =	vst v4;
	v7 =	vld [tilespmem:s6+$0xFFFFFE90]  }
0xa4: {  	[tilespmem:s0+$0x80] =	vst v5;
	v4 =	vld [tilespmem:s6+$0xFFFFFF10]  }
0xa5: {  	[tilespmem:s0+$0xFFFFFE00] =	vst v6;
	v0 =	vld [tilespmem:s6+$0xFFFFFF90]  }
0xa6: {  	[tilespmem:s0+$0x190] =	vst v1;
	v1 =	vld [tilespmem:s6+$0x10]  }
0xa7: {  	v3 =	vld [tilespmem:s6+$0x90];
	[tilespmem:s0+$0x100] =	vst v2  }
0xa8: {  	v2 =	vld [tilespmem:s6+$0xFFFFFE10];
	[tilespmem:s0+$0xFFFFFE90] =	vst v7  }
0xa9: {  	s1 =	simm.s32 $0x0;
	[tilespmem:s0+$0xFFFFFF10] =	vst v4;
	v4 =	vld [tilespmem:s6+$0x110];
	s6 =	simm.s32 $0xE200  }
.LBB2_9:
0xaa: {  	v5 =	vld [tilespmem:s6+$0x180];
	s1 =	sadd.s32 $0x8, s1;
	[tilespmem:s0+$0xFFFFFF90] =	vst v0  }
0xab: {  	v0 =	vld [tilespmem:s6+$0xFFFFFE80];
	p0 =	slt.u32 s1, $0x48;
	[tilespmem:s0+$0x10] =	vst v1  }
0xac: {  	v1 =	vld [tilespmem:s6+$0xFFFFFF00];
	[tilespmem:s0+$0x90] =	vst v3  }
0xad: {  	v3 =	vld [tilespmem:s6+$0xFFFFFF80];
	[tilespmem:s0+$0xFFFFFE10] =	vst v2  }
0xae: {  	v2 =	vld [tilespmem:s6+$0x0];
	[tilespmem:s0+$0x110] =	vst v4;
	s0 =	sadd.s32 $0x400, s0  }
0xaf: {  	v4 =	vld [tilespmem:s6+$0x80];
	[tilespmem:s0+$0x180] =	vst v5  }
0xb0: {  	[tilespmem:s0+$0xFFFFFE80] =	vst v0;
	v5 =	vld [tilespmem:s6+$0x190]  }
0xb1: {  	[tilespmem:s0+$0xFFFFFF00] =	vst v1;
	v6 =	vld [tilespmem:s6+$0x100]  }
0xb2: {  	v7 =	vld [tilespmem:s6+$0xFFFFFE00];
	[tilespmem:s0+$0xFFFFFF80] =	vst v3  }
0xb3: {  	v8 =	vld [tilespmem:s6+$0xFFFFFE90];
	[tilespmem:s0+$0x0] =	vst v2  }
0xb4: {  	v9 =	vld [tilespmem:s6+$0xFFFFFF10];
	[tilespmem:s0+$0x80] =	vst v4  }
.Ltmp3:
0xb5: {  	v0 =	vld [tilespmem:s6+$0xFFFFFF90];
	[tilespmem:s0+$0x190] =	vst v5;
	(pc) =	sbr.rel @p0 .LBB2_9-.Ltmp3, $4  }
0xb6: {  	v1 =	vld [tilespmem:s6+$0x10];
	[tilespmem:s0+$0x100] =	vst v6  }
0xb7: {  	[tilespmem:s0+$0xFFFFFE00] =	vst v7;
	v3 =	vld [tilespmem:s6+$0x90]  }
0xb8: {  	v2 =	vld [tilespmem:s6+$0xFFFFFE10];
	[tilespmem:s0+$0xFFFFFE90] =	vst v8  }
0xb9: {  	[tilespmem:s0+$0xFFFFFF10] =	vst v9;
	v4 =	vld [tilespmem:s6+$0x110];
	s6 =	sadd.s32 $0x400, s6  }
0xba: {  	[tilespmem:s0+$0xFFFFFF90] =	vst v0  }
0xbb: {  	[tilespmem:s0+$0x10] =	vst v1  }
0xbc: {  	s1 =	sadd.s32 s3, s29;
	[tilespmem:s0+$0x90] =	vst v3  }
0xbd: {  	s1 =	sshll.u32 s1, $0x4;
	[tilespmem:s0+$0xFFFFFE10] =	vst v2  }
0xbe: {  	s31 =	sadd.s32 s5, s1;
	[tilespmem:s0+$0x110] =	vst v4  }
0xbf: {  	[hbm4b:s31+s2] =	stream.linear.scatter [tilespmem:s21], [sflag:$0x8], $0x2800, $0x38;
	[tilespmem:$0x1A400] =	vst v63  }
0xc0: {  	_ =	swait.ge [sflag:s22], $0x2800  }
0xc1: {  	[sflag:s22] =	ssyncset.done $0x0  }
0xc2: {  	[sflag:s22] =	ssyncadd.s32 $0xFFFFD800  }
0xc3: {  	_ =	swait.ge [sflag:s23], $0x2800  }
0xc4: {  	[sflag:s23] =	ssyncset.done $0x0  }
0xc5: {  	s28 =	sadd.s32 $0x1, s28;
	[sflag:s23] =	ssyncadd.s32 $0xFFFFD800  }
0xc6: {  	p0 =	sne.s32 s28, $0x50;
	_ =	swait.ge [sflag:s24], $0x2800  }
.Ltmp4:
0xc7: {  	[sflag:s24] =	ssyncset.done $0x0;
	(pc) =	sbr.rel @p0 .LBB2_2-.Ltmp4, $4  }
0xc8: {  	[sflag:s24] =	ssyncadd.s32 $0xFFFFD800  }
0xc9: {  	_ =	swait.ge [sflag:s25], $0x2800  }
0xca: {  	[sflag:s25] =	ssyncset.done $0x0  }
0xcb: {  	[sflag:s25] =	ssyncadd.s32 $0xFFFFD800  }
0xcc: {  	s26 =	sadd.s32 $0x1, s26;
	s0 =	rddreg [dreg:$0x3]  }
0xcd: {  	p0 =	sne.s32 s26, s0  }
.Ltmp5:
0xce: {  	_ = 	snop;
	(pc) =	sbr.rel @p0 .LBB2_1-.Ltmp5, $1  }
0xcf: {  	_ =	sdelay $0x3  }
0xd0: {  	_ =	sfence.sel $0x180000  }
0xd1: {  	[bflag:$0x0] =	sbarrier.arrive $0xFFFF  }
0xd2: {  	_ =	strace $0x90000047  }
0xd3: {  	s0 =	stileid.u32;
	[bflag:$0x2] =	sbarrier.arrive $0xFFFF  }
0xd4: {  	p0 =	sne.s32 s0, $0x0;
	s0 =	rddreg [dreg:$0x1]  }
0xd5: {  	s0 =	sadd.s32 @!p0 $0x100000, s0  }
0xd6: {  	[sflag:s0] =	ssyncadd.tile.s32 @!p0 $0x1;
	_ =	shalt  }
.Lfunc_end2:
_tile_overlayer_lowered:
.L_overlay_start_2:
0xd7: {  	(tag) =	ssettag $0x2  }
0xd8: {  	s0 =	rddreg [dreg:$0x0];
	s2 =	stileid.u32  }
0xd9: {  	s1 =	rddreg [dreg:$0x1];
	p0 =	sne.s32 s2, $0x0  }
0xda: {  	s3 =	rddreg [dreg:$0x2];
	[bflag:$0x3] =	sbarrier.arrive $0xFFFF;
	s2 =	simm.s32 @!p0 $0x1C09  }
0xdb: {  	[timem:s3], [sflag:s2] =	dma.local @!p0 [hbm:s0], s1  }
0xdc: {  	s0 =	simm.s32 @!p0 $0x9  }
0xdd: {  	_ =	swait.ge @!p0 [sflag:s0], s1  }
0xde: {  	s1 =	ssub.s32 @!p0 $0x0, s1;
	[sflag:s0] =	ssyncset.done @!p0 $0x0  }
0xdf: {  	[sflag:s0] =	ssyncadd.s32 @!p0 s1  }
0xe0: {  	[bflag:$0x3] =	sbarrier.arrive $0xFFFF  }
0xe1: {  	_ =	shalt  }

// kernel: sparse-core-data-format-call.cloned.1.call-start
scs
called_computation_lowered:
.L_overlay_start_0:
0x0: {  	s2 =	sld [smem:$0x3FD9]  }
0x1: {  	s3 =	sld [smem:$0x3FFE];
	_ =	sdelay $0x1  }
0x2: {  	s1 =	srdreg.scid  }
0x3: {  	s0 =	sand.u32 $0x1, s1  }
0x4: {  	s18 =	sshll.u32 s0, $0xA;
	s2 =	sadd.s32 s3, s2  }
0x5: {  	s2 =	sadd.s32 s2, s18  }
0x6: {  	[smem:$0x3FC6] =	sst s2  }
0x7: {  	_ = 	snop  }
0x8: {  	s2 =	sld [smem:$0x3FD0];
	(tm) =	ssettm $0x1  }
0x9: {  	s19 =	sld [smem:$0x3FFB];
	_ =	sdelay $0x3  }
0xa: {  	_ =	strace s19  }
0xb: {  	s3 =	sld [smem:$0x3FFC];
	_ =	sdelay $0x3  }
0xc: {  	_ =	strace s3  }
0xd: {  	s3 =	sld [smem:$0x3FFD];
	_ =	sdelay $0x3  }
0xe: {  	_ =	strace s3  }
0xf: {  	_ =	strace $0x8FFFFFFF  }
0x10: {  	s20 =	sld [smem:$0x3FDB];
	_ =	sdelay $0x1  }
0x11: {  	s4 =	simm.s32 $_scs_section_size  }
0x12: {  	s5 =	simm.s32 $_size__tile_overlayer_lowered;
	s6 =	simm.s32 $_tile_overlayer_lowered  }
0x13: {  	s23 =	simm.s32 $0x1BFF;
	s22 =	sshll.u32 s6, $0x1;
	s3 =	sadd.s32 s4, s20  }
0x14: {  	s7 =	simm.s32 $0x0;
	s21 =	sshll.u32 s5, $0x1;
	s5 =	sadd.s32 s22, s3  }
0x15: {  	[timem:s7], [sflag:s23] =	dma.local [hbm:s5], s21  }
0x16: {  	_ =	swait.ge [sflag:s23], s21  }
0x17: {  	s4 =	ssub.s32 $0x0, s21;
	[sflag:s23] =	ssyncset.done $0x0  }
0x18: {  	[sflag:s23] =	ssyncadd.s32 s4;
	_ =	sdelay $0x1  }
0x19: {  	s24 =	simm.s32 $0x1B8B  }
0x1a: {  	_ =	swait.ge [sflag:s24], $0x1  }
0x1b: {  	[sflag:s24] =	ssyncset.done $0x0  }
0x1c: {  	s26 =	simm.s32 $0x1B8E;
	s25 =	sld [smem:$0x3FFE];
	[sflag:s24] =	ssyncadd.s32 $0xFFFFFFFF  }
0x1d: {  	s27 =	simm.s32 $execute0_lowered;
	[smem:$0x3FD2] =	sst s26  }
0x1e: {  	s5 =	sshll.u32 s27, $0x1;
	_ =	strace $0x80000049;
	[dreg:$0x1] =	wrdreg $0xFFFFFFFF  }
0x1f: {  	s28 =	simm.s32 $_size_execute0_lowered;
	s3 =	sadd.s32 s3, s5;
	[dreg:$0x0] =	wrdreg $0x0  }
0x20: {  	s5 =	sshll.u32 s28, $0x1;
	[dreg:$0x2] =	wrdreg s3  }
0x21: {  	[dreg:$0x3] =	wrdreg s5  }
0x22: {  	[dreg:$0x4] =	wrdreg $0xC0  }
0x23: {  	_ =	task [dreg:s7], $0x5FFFF  }
0x24: {  	[dreg:$0x1] =	wrdreg $0xFFFFFFFF  }
0x25: {  	[dreg:$0x0] =	wrdreg $0x60  }
0x26: {  	[dreg:$0x2] =	wrdreg s25  }
0x27: {  	[dreg:$0x3] =	wrdreg s2  }
0x28: {  	[dreg:$0x4] =	wrdreg $0x9  }
0x29: {  	_ =	task.clear_ibuf [dreg:s7], $0x5FFFF;
	_ =	strace $0x90000049  }
0x2a: {  	s29 =	simm.s32 $0x9;
	_ =	strace $0x8000004B  }
0x2b: {  	_ =	swait.ge [sflag:s29], $0x1  }
0x2c: {  	[sflag:s29] =	ssyncadd.s32 $0xFFFFFFFF  }
0x2d: {  	_ =	strace $0x9000004B  }
0x2e: {  	_ =	sfence  }
0x2f: {  	s30 =	sld [smem:$0x0];
	_ =	sdelay $0x2  }
0x30: {  	s31 =	sshll.u32 s1, $0xD;
	s1 =	sshrl.u32 s1, $0x2  }
0x31: {  	s3 =	sand.u32 $0x4000, s31;
	s1 =	sadd.s32 s1, s30  }
0x32: {  	s0 =	sor.u32 s3, s0;
	s1 =	sshll.u32 s1, $0x11  }
0x33: {  	s0 =	sor.u32 s1, s0  }
0x34: {  	s0 =	sadd.s32 $0x8F2B, s0  }
0x35: {  	[sflag:s0] =	ssyncadd.remote.s32 $0x1  }
0x36: {  	_ =	sfence.sel $0xFFFF  }
0x37: {  	[dreg:$0x0] =	wrdreg $0xFFFFFFFF;
	(pc) =	sbr.abs _section_cstart, $3  }
0x38: {  	[dreg:$0x1] =	wrdreg $0xFFFFFFFF  }
0x39: {  	_ =	task.clear_ibuf [dreg:s7], $0x2FFFF;
	_ =	strace $0x9FFFFFFF  }
0x3a: {  	(tm) =	ssettm $0x7FFFFFFF  }
0x3b: {  	_ =	shalt  }
tec
execute0_lowered:
.L_overlay_start_1:
0x0: {  	(tag) =	ssettag $0x1  }
0x1: {  	s0 =	srdreg.scid  }
0x2: {  	s1 =	sshll.u32 s0, $0x4  }
0x3: {  	s0 =	stileid.u32;
	s1 =	sand.u32 $0x10, s1  }
0x4: {  	s1 =	sor.u32 s0, s1  }
0x5: {  	s6 =	rddreg [dreg:$0x0];
	s4 =	simm.s32 $0x1;
	s2 =	sshll.u32 s1, $0x7  }
0x6: {  	s7 =	simm.s32 $0x2;
	s12 =	simm.s32 $0x0;
	s1 =	ssub.s32 $0x1000, s2  }
0x7: {  	s8 =	simm.s32 $0x8000;
	s13 =	simm.s32 $0x0;
	s3 =	sand.u32 $0xF80, s1  }
0x8: {  	s9 =	simm.s32 $0x0;
	s5 =	sshrl.u32 s1, $0xC;
	p0 =	sne.s32 s3, $0x0  }
.Ltmp0:
0x9: {  	s1 =	rddreg [dreg:$0x2];
	s4 =	simm.s32 @!p0 $0x0;
	(pc) =	sbr.rel .LBB1_1-.Ltmp0, $4  }
0xa: {  	s11 =	simm.s32 $0x0;
	s3 =	rddreg [dreg:$0x1];
	s5 =	sadd.s32 s4, s5  }
0xb: {  	_ =	strace $0x8000004A;
	s4 =	simm.s32 $0x1;
	s5 =	smul.u32 $0xC8, s5  }
0xc: {  	s6 =	sadd.s32 $0x1A0200, s6;
	s10 =	smov.u32 s2;
	[sflag:s4] =	ssyncpa.u1 $0x0  }
0xd: {  	p0 =	por $0x0, $0x0;
	[sflag:s7] =	ssyncpa.u1 $0x0;
	s7 =	sor.u32 $0x1, s5  }
.LBB1_4:
0xe: {  	s16 =	sshll.u32 s13, $0x3;
	s17 =	sand.u32 $0x78, s13  }
0xf: {  	s30 =	sand.u32 $0x3E00, s13;
	s12 =	sshll.u32 s12, $0xE;
	s16 =	sand.u32 $0xC00, s16  }
0x10: {  	s31 =	sand.u32 $0x7, s13;
	s16 =	sor.u32 s17, s16;
	s17 =	sadd.s32 s3, s30  }
0x11: {  	s13 =	sshll.u32 s31, $0x12;
	s16 =	sshrl.u32 s16, $0x3;
	s12 =	sadd.s32 s12, s17  }
0x12: {  	[tilespmem:s15+$0x0 ss:$0x81] =	vst.msk $0xffff, v0;
	s13 =	sor.u32 $0x400, s13;
	s12 =	sadd.s32 s16, s12  }
0x13: {  	[hbm4b:s12+s13] =	stream.strided.scatter [tilespmem:s14], [sflag:$0x2], $0x1000, s8, s13, $0x20;
	[tilespmem:$0x4040] =	vst v63  }
.LBB1_5:
0x14: {  	s14 =	sadd.s32 $0x1, s9  }
0x15: {  	s12 =	sadd.s32 $0x1000, s10;
	s16 =	smov.u32 s10;
	p2 =	sgt.s32 s14, $0xC7  }
0x16: {  	s16 =	smov.u32 @p2 s12  }
0x17: {  	s14 =	simm.s32 @p2 $0x0;
	p2 =	sgt.s32 s16, $0xFFF  }
0x18: {  	s16 =	smov.u32 @p2 s2;
	p2 =	sne.s32 s11, s7  }
.Ltmp1:
0x19: {  	p1 =	slt.u32 s11, $0x2;
	(pc) =	sbr.rel @!p2 .LBB1_6-.Ltmp1, $4  }
0x1a: {  	s15 =	simm.s32 @!p1 $0x2  }
0x1b: {  	s13 =	smov.u32 s10;
	p0 =	por !p0, !p0;
	_ =	swait.ge @!p1 [sflag:s15], $0x1000  }
0x1c: {  	s12 =	smov.u32 s9;
	[sflag:s15] =	ssyncset.done @!p1 $0x0;
	s9 =	smov.u32 s14  }
0x1d: {  	s11 =	sadd.s32 $0x1, s11;
	[sflag:s15] =	ssyncadd.s32 @!p1 $0xFFFFF000;
	s10 =	smov.u32 s16  }
.LBB1_1:
0x1e: {  	p1 =	sge.u32 s11, s5  }
0x1f: {  	s14 =	sand.u32 @!p1 $0x1FFFFFF, s9  }
0x20: {  	s15 =	smulhi.u32 @!p1 $0x147AE15, s14;
	_ =	sdelay $0x1  }
0x21: {  	s15 =	smul.u32 @!p1 $0xC8, s15  }
0x22: {  	s16 =	sxor.u32 @!p1 $0xFFFFFFFF, s11;
	s17 =	smul.u32 @!p1 $0xC80, s10  }
0x23: {  	s31 =	sadd.s32 $0xFFFFFFFF, s11;
	s16 =	sshll.u32 @!p1 s16, $0xC;
	s14 =	ssub.s32 @!p1 s14, s15  }
0x24: {  	s15 =	sand.u32 @!p1 $0x1000, s16;
	s16 =	sadd.s32 @!p1 s6, s17;
	s14 =	sshll.u32 @!p1 s14, $0x4  }
0x25: {  	s17 =	simm.s32 @!p1 $0x6400;
	s14 =	sadd.s32 @!p1 s14, s16;
	s16 =	simm.s32 @!p1 $0x20  }
0x26: {  	[tilespmem:s15], [sflag:$0x1] =	stream.strided.gather @!p1 [hbm4b:s14+s16], $0x1000, s17, s16, $0x38;
	[tilespmem:$0x4040] =	vst v63  }
0x27: {  	p1 =	sge.u32 s31, s5  }
.Ltmp2:
0x28: {  	_ = 	snop;
	(pc) =	sbr.rel @p1 .LBB1_5-.Ltmp2, $1  }
0x29: {  	_ =	sdelay $0x3  }
0x2a: {  	s14 =	simm.s32 $0x1  }
0x2b: {  	_ =	swait.ge [sflag:s4], $0x1000;
	s14 =	simm.s32 @!p0 $0x0  }
0x2c: {  	[sflag:s4] =	ssyncset.done $0x0;
	s15 =	sshll.u32 s14, $0xC  }
0x2d: {  	[sflag:s4] =	ssyncadd.s32 $0xFFFFF000;
	s18 =	sor.u32 $0x10, s15  }
0x2e: {  	s14 =	smul.u32 $0x4080, s14;
	v1 =	vld [tilespmem:s18+$0x0]  }
0x2f: {  	s30 =	sand.u32 $0x1, s11;
	v0 =	vld [tilespmem:s18+$0xFFFFFFF0]  }
0x30: {  	s15 =	smul.u32 $0x4080, s30;
	s14 =	sshrl.u32 s14, $0x2  }
0x31: {  	s16 =	sor.u32 $0x2000, s14  }
0x32: {  	s31 =	sshrl.u32 s15, $0x2;
	s15 =	sadd.s32 $0x0, s16  }
0x33: {  	s17 =	simm.s32 $0x4;
	s18 =	sadd.s32 $0x20, s18;
	s14 =	sor.u32 $0x2000, s31;
	[tilespmem:s15+$0x810 ss:$0x81] =	vst.msk $0xffff, v1  }
.LBB1_3:
0x34: {  	v1 =	vld [tilespmem:s18+$0x0];
	p1 =	sne.s32 s17, $0x1FC;
	[tilespmem:s15+$0x0 ss:$0x81] =	vst.msk $0xffff, v0;
	s15 =	smov.u32 s17;
	s17 =	sadd.s32 $0x4, s17  }
.Ltmp3:
0x35: {  	v0 =	vld [tilespmem:s18+$0xFFFFFFF0];
	(pc) =	sbr.rel @p1 .LBB1_3-.Ltmp3, $4  }
0x36: {  	_ = 	snop  }
0x37: {  	s15 =	sshra.s32 s15, $0x2  }
0x38: {  	s15 =	sadd.s32 s15, s16  }
0x39: {  	s18 =	sadd.s32 $0x20, s18;
	[tilespmem:s15+$0x810 ss:$0x81] =	vst.msk $0xffff, v1  }
.Ltmp4:
0x3a: {  	_ = 	snop;
	(pc) =	sbr.rel .LBB1_4-.Ltmp4, $1  }
0x3b: {  	_ =	sdelay $0x3  }
.LBB1_6:
0x3c: {  	_ =	sfence.sel $0x180000  }
0x3d: {  	s2 =	simm.s32 $0x1;
	[bflag:$0x0] =	sbarrier.arrive $0xFFFF  }
0x3e: {  	s31 =	simm.s32 $0x2;
	[sflag:s2] =	ssyncpa.u1 $0x1  }
0x3f: {  	[sflag:s31] =	ssyncpa.u1 $0x1  }
0x40: {  	p0 =	sne.s32 s0, $0x0;
	_ =	strace $0x9000004A  }
0x41: {  	s0 =	sadd.s32 @!p0 $0x100000, s1;
	[bflag:$0x2] =	sbarrier.arrive $0xFFFF  }
0x42: {  	[sflag:s0] =	ssyncadd.tile.s32 @!p0 $0x1;
	_ =	shalt  }
.Lfunc_end1:
_tile_overlayer_lowered:
.L_overlay_start_2:
0x43: {  	(tag) =	ssettag $0x2  }
0x44: {  	s0 =	rddreg [dreg:$0x0];
	s2 =	stileid.u32  }
0x45: {  	s1 =	rddreg [dreg:$0x1];
	p0 =	sne.s32 s2, $0x0  }
0x46: {  	s3 =	rddreg [dreg:$0x2];
	[bflag:$0x3] =	sbarrier.arrive $0xFFFF;
	s2 =	simm.s32 @!p0 $0x1C01  }
0x47: {  	[timem:s3], [sflag:s2] =	dma.local @!p0 [hbm:s0], s1  }
0x48: {  	s0 =	simm.s32 @!p0 $0x1  }
0x49: {  	_ =	swait.ge @!p0 [sflag:s0], s1  }
0x4a: {  	s1 =	ssub.s32 @!p0 $0x0, s1;
	[sflag:s0] =	ssyncset.done @!p0 $0x0  }
0x4b: {  	[sflag:s0] =	ssyncadd.s32 @!p0 s1  }
0x4c: {  	[bflag:$0x3] =	sbarrier.arrive $0xFFFF  }
0x4d: {  	_ =	shalt  }

</sc_bundles>
